<compile_context>
chip_gen: v7x
topology: tpu7x:2x2x1
jax: 0.10.2.dev20260603
libtpu: 0.0.44.dev20260713+nightly
codegen_flags: <defaults>
</compile_context>

<pallas_src>
import functools

import jax
import jax.numpy as jnp
from jax import lax
from jax.experimental import pallas as pl
from jax.experimental.pallas import tpu as pltpu
from jax.experimental.pallas import tpu_sc as plsc

N = 4096
KK = 2048
D = 512


_IC = 512
_JC = 256


def _topk_body(srow_ref, scol_ref, idx_ref, val_ref, ranks_ref):
    def rank_chunk(ci, carry):
        sch = srow_ref[0:1, pl.ds(ci * _IC, _IC)]
        i_ids = jax.lax.broadcasted_iota(jnp.int32, (_JC, _IC), 1) + ci * _IC

        def jbody(cj, acc):
            sj = scol_ref[pl.ds(cj * _JC, _JC), 0:1]
            j_ids = jax.lax.broadcasted_iota(jnp.int32, (_JC, _IC), 0) + cj * _JC
            gt = (sj > sch).astype(jnp.float32)
            eq = jnp.logical_and(sj == sch, j_ids < i_ids).astype(jnp.float32)
            return acc + jnp.sum(gt + eq, axis=0, keepdims=True)

        rank = jax.lax.fori_loop(0, N // _JC, jbody,
                                 jnp.zeros((1, _IC), jnp.float32))
        ranks_ref[0:1, pl.ds(ci * _IC, _IC)] = rank
        return carry

    jax.lax.fori_loop(0, N // _IC, rank_chunk, 0)

    def inv_chunk(cr, carry):
        r_col = (jax.lax.broadcasted_iota(jnp.int32, (_JC, _IC), 0)
                 + cr * _JC).astype(jnp.float32)

        def jbody(cj, accs):
            acc_i, acc_v = accs
            rk = ranks_ref[0:1, pl.ds(cj * _IC, _IC)]
            sc = srow_ref[0:1, pl.ds(cj * _IC, _IC)]
            j_ids = (jax.lax.broadcasted_iota(jnp.int32, (_JC, _IC), 1)
                     + cj * _IC).astype(jnp.float32)
            m = rk == r_col
            acc_i = acc_i + jnp.sum(jnp.where(m, j_ids, 0.0), axis=1,
                                    keepdims=True)
            acc_v = acc_v + jnp.sum(jnp.where(m, sc, 0.0), axis=1,
                                    keepdims=True)
            return acc_i, acc_v

        z = jnp.zeros((_JC, 1), jnp.float32)
        acc_i, acc_v = jax.lax.fori_loop(0, N // _IC, jbody, (z, z))
        idx_ref[pl.ds(cr * _JC, _JC), 0:1] = acc_i.astype(jnp.int32)
        val_ref[pl.ds(cr * _JC, _JC), 0:1] = acc_v
        return carry

    jax.lax.fori_loop(0, KK // _JC, inv_chunk, 0)


def _topk_call(srow, scol):
    return pl.pallas_call(
        _topk_body,
        out_shape=[jax.ShapeDtypeStruct((KK, 1), jnp.int32),
                   jax.ShapeDtypeStruct((KK, 1), jnp.float32)],
        scratch_shapes=[pltpu.VMEM((1, N), jnp.float32)],
    )(srow, scol)



_TB = 512


def _prep_body(g_ref, gb_ref, gt_ref):
    blk = g_ref[...]
    gb_ref[...] = (blk != 0).astype(jnp.bfloat16)
    gt_ref[...] = blk.T


def _prep_call(g):
    nb = N // _TB
    return pl.pallas_call(
        _prep_body,
        grid=(nb, nb),
        in_specs=[pl.BlockSpec((_TB, _TB), lambda i, j: (i, j))],
        out_specs=[pl.BlockSpec((_TB, _TB), lambda i, j: (i, j)),
                   pl.BlockSpec((_TB, _TB), lambda i, j: (j, i))],
        out_shape=[jax.ShapeDtypeStruct((N, N), jnp.bfloat16),
                   jax.ShapeDtypeStruct((N, N), jnp.float32)],
    )(g)



_NC, _NS = 2, 16
_NW = _NC * _NS
_RPW = KK // _NW
_CH = 8


def _gather_body(g_hbm, gt_hbm, h_hbm, idx_hbm, idx2_hbm,
                 o_gs, o_gts, o_hs,
                 idx_v, idx2_v, buf_g, buf_gt, buf_h,
                 sem_g, sem_gt, sem_h):
    wid = lax.axis_index("s") * _NC + lax.axis_index("c")
    base = wid * _RPW

    pltpu.sync_copy(idx_hbm.at[pl.ds(base, _RPW)], idx_v)
    nch = _RPW // _CH
    pltpu.sync_copy(idx2_hbm.at[pl.ds(wid * nch, nch)], idx2_v)

    pltpu.async_copy(h_hbm.at[idx_v], buf_h, sem_h).wait()
    pltpu.sync_copy(buf_h, o_hs.at[pl.ds(base, _RPW)])

    def chunk(c, carry):
        cp_g = pltpu.async_copy(g_hbm.at[idx2_v.at[c]], buf_g, sem_g)
        cp_t = pltpu.async_copy(gt_hbm.at[idx2_v.at[c]], buf_gt, sem_gt)
        cp_g.wait()
        pltpu.sync_copy(buf_g, o_gs.at[pl.ds(base + c * _CH, _CH)])
        cp_t.wait()
        pltpu.sync_copy(buf_gt, o_gts.at[pl.ds(base + c * _CH, _CH)])
        return carry

    jax.lax.fori_loop(0, nch, chunk, 0)


def _gather_call(g, gT, h, idx, idx2):
    mesh = plsc.VectorSubcoreMesh(core_axis_name="c", subcore_axis_name="s")
    f = functools.partial(
        pl.kernel,
        out_type=[jax.ShapeDtypeStruct((KK, N), jnp.float32),
                  jax.ShapeDtypeStruct((KK, N), jnp.float32),
                  jax.ShapeDtypeStruct((KK, D), jnp.float32)],
        mesh=mesh,
        scratch_types=[pltpu.VMEM((_RPW,), jnp.int32),
                       pltpu.VMEM((_RPW // _CH, _CH), jnp.int32),
                       pltpu.VMEM((_CH, N), jnp.float32),
                       pltpu.VMEM((_CH, N), jnp.float32),
                       pltpu.VMEM((_RPW, D), jnp.float32),
                       pltpu.SemaphoreType.DMA,
                       pltpu.SemaphoreType.DMA,
                       pltpu.SemaphoreType.DMA],
    )(_gather_body)
    return f(g, gT, h, idx, idx2)



_M1_BM, _M1_BN, _M1_BK = 512, 1024, 512


def _mm1_body(a_ref, b_ref, o_ref, acc_ref):
    @pl.when(pl.program_id(2) == 0)
    def _():
        acc_ref[...] = jnp.zeros_like(acc_ref)

    a = (a_ref[...] != 0).astype(jnp.bfloat16)
    acc_ref[...] += jnp.dot(a, b_ref[...],
                            preferred_element_type=jnp.float32)

    @pl.when(pl.program_id(2) == N // _M1_BK - 1)
    def _():
        o_ref[...] = (acc_ref[...] > 0.5).astype(jnp.bfloat16)


def _mm1_call(gs, gb16):
    grid = (KK // _M1_BM, N // _M1_BN, N // _M1_BK)
    return pl.pallas_call(
        _mm1_body,
        grid=grid,
        in_specs=[pl.BlockSpec((_M1_BM, _M1_BK), lambda i, j, k: (i, k)),
                  pl.BlockSpec((_M1_BK, _M1_BN), lambda i, j, k: (k, j))],
        out_specs=pl.BlockSpec((_M1_BM, _M1_BN), lambda i, j, k: (i, j)),
        out_shape=jax.ShapeDtypeStruct((KK, N), jnp.bfloat16),
        scratch_shapes=[pltpu.VMEM((_M1_BM, _M1_BN), jnp.float32)],
        compiler_params=pltpu.CompilerParams(
            dimension_semantics=("parallel", "parallel", "arbitrary")),
    )(gs, gb16)



_M2_BM, _M2_BK = 256, 256


def _mm2_body(x_ref, t_ref, o_ref, acc_ref):
    @pl.when(pl.program_id(1) == 0)
    def _():
        acc_ref[...] = jnp.zeros_like(acc_ref)

    t = (t_ref[...] != 0).astype(jnp.bfloat16)
    acc_ref[...] += jax.lax.dot_general(
        x_ref[...], t, (((1,), (1,)), ((), ())),
        preferred_element_type=jnp.float32)

    @pl.when(pl.program_id(1) == N // _M2_BK - 1)
    def _():
        un = (acc_ref[...] > 0.5).astype(jnp.float32)
        s = jnp.sum(un, axis=1, keepdims=True)
        o_ref[...] = un / (s + 1e-08)


def _mm2_call(xb, gts):
    grid = (KK // _M2_BM, N // _M2_BK)
    return pl.pallas_call(
        _mm2_body,
        grid=grid,
        in_specs=[pl.BlockSpec((_M2_BM, _M2_BK), lambda i, k: (i, k)),
                  pl.BlockSpec((KK, _M2_BK), lambda i, k: (0, k))],
        out_specs=pl.BlockSpec((_M2_BM, KK), lambda i, k: (i, 0)),
        out_shape=jax.ShapeDtypeStruct((KK, KK), jnp.float32),
        scratch_shapes=[pltpu.VMEM((_M2_BM, KK), jnp.float32)],
        compiler_params=pltpu.CompilerParams(
            dimension_semantics=("parallel", "arbitrary")),
    )(xb, gts)




def _scale_body(h_ref, v_ref, o_ref):
    o_ref[...] = h_ref[...] * v_ref[...]


def _scale_call(hs, val2):
    bm = 256
    return pl.pallas_call(
        _scale_body,
        grid=(KK // bm,),
        in_specs=[pl.BlockSpec((bm, D), lambda i: (i, 0)),
                  pl.BlockSpec((bm, 1), lambda i: (i, 0))],
        out_specs=pl.BlockSpec((bm, D), lambda i: (i, 0)),
        out_shape=jax.ShapeDtypeStruct((KK, D), jnp.float32),
    )(hs, val2)




def kernel(g, h, C, Wf, bf, Ws, bs, Wo, bo):
    feature_weights = h @ Wf + bf
    structure_weights = C @ Ws + bs
    weights = (jnp.concatenate([feature_weights, structure_weights], axis=1)
               @ Wo + bo).squeeze()
    scores = jax.nn.sigmoid(weights)

    srow = scores.reshape(1, N)
    scol = scores.reshape(N, 1)
    idx2, val2 = _topk_call(srow, scol)
    idx = idx2.reshape(KK)

    gb16, gT = _prep_call(g)
    gs, gts, hs = _gather_call(g, gT, h, idx, idx.reshape(-1, _CH))
    xb = _mm1_call(gs, gb16)
    g_new = _mm2_call(xb, gts)
    new_h = _scale_call(hs, val2)
    return (g_new, new_h, idx)

# --- scband reference (transcript-rebuilt; emitter-appended) ---
"""Pipeline reference for scband-pool-48670569398284 (READ-ONLY COPY).

The authoritative reference and input builder live on the scoring server;
editing this copy changes nothing except your own understanding.
"""

import jax, jax.numpy as jnp
import numpy as np


def norm_g(g):
    return g / (g.sum(1, keepdims=True) + 1e-08)


def setup_inputs(seed: int = 0) -> dict:
    key = jax.random.key(seed)
    ks = jax.random.split(key, 12)
    N, D = 4096, 512
    density = 0.01
    # sparse symmetric weighted adjacency (realistic graph); harness fill 'rand' is
    # thresholded here so the g.bool() paths are non-trivial
    mask = jax.random.uniform(ks[0], (N, N)) < density
    mask = jnp.logical_or(mask, mask.T)
    g = mask.astype(jnp.float32) * jax.random.uniform(ks[1], (N, N))
    h = jax.random.normal(ks[2], (N, D), dtype=jnp.float32)
    # C stands in for the six networkx centralities (closeness, degree, betweenness,
    # load, subgraph, harmonic), which are host-side, non-differentiable graph
    # preprocessing in the original (computed from g.detach()). Treated as an input.
    C = jax.random.uniform(ks[3], (N, 6), dtype=jnp.float32)
    Wf = jax.random.normal(ks[4], (D, 1), dtype=jnp.float32) / np.sqrt(D)
    bf = jnp.zeros((1,), dtype=jnp.float32)
    Ws = jax.random.normal(ks[5], (6, 1), dtype=jnp.float32) / np.sqrt(6.0)
    bs = jnp.zeros((1,), dtype=jnp.float32)
    Wo = jax.random.normal(ks[6], (2, 1), dtype=jnp.float32) / np.sqrt(2.0)
    bo = jnp.zeros((1,), dtype=jnp.float32)
    return {"g": g, "h": h, "C": C, "Wf": Wf, "bf": bf, "Ws": Ws, "bs": bs, "Wo": Wo, "bo": bo}


def reference(g, h, C, Wf, bf, Ws, bs, Wo, bo):
    k = 0.5
    N = g.shape[0]
    Z = h  # Dropout(p=0.0) -> Identity
    feature_weights = Z @ Wf + bf            # [N, 1]
    structure_weights = C @ Ws + bs          # [N, 1]
    weights = (jnp.concatenate([feature_weights, structure_weights], axis=1) @ Wo + bo).squeeze()  # [N]
    scores = jax.nn.sigmoid(weights)
    kk = max(2, int(k * N))
    values, idx = jax.lax.top_k(scores, kk)
    new_h = jnp.take(h, idx, axis=0) * values[:, None]
    gb = (g != 0).astype(jnp.float32)
    un_g = ((gb @ (gb @ gb)) != 0).astype(jnp.float32)  # 3-hop reachability
    un_g = jnp.take(jnp.take(un_g, idx, axis=0), idx, axis=1)
    g_new = norm_g(un_g)
    return (g_new, new_h, idx)

if __name__ == "__main__":
    import jax
    _d = setup_inputs()
    print(jax.jit(kernel)(*tuple(_d.values())))

</pallas_src>

<mosaic_0001>
#map = affine_map<(d0, d1) -> (0, 0)>
#map1 = affine_map<(d0, d1) -> (0)>
module attributes {stable_mosaic.version = 14 : i64} {
  func.func @_gather_body(%arg0: i32, %arg1: i32, %arg2: memref<4096x4096xf32, #tpu.memory_space<hbm>>, %arg3: memref<4096x4096xf32, #tpu.memory_space<hbm>>, %arg4: memref<4096x512xf32, #tpu.memory_space<hbm>>, %arg5: memref<2048xi32, #tpu.memory_space<hbm>>, %arg6: memref<256x8xi32, #tpu.memory_space<hbm>>, %arg7: memref<2048x4096xf32, #tpu.memory_space<hbm>>, %arg8: memref<2048x4096xf32, #tpu.memory_space<hbm>>, %arg9: memref<2048x512xf32, #tpu.memory_space<hbm>>, %arg10: memref<64xi32, #tpu.memory_space<vmem>>, %arg11: memref<8x8xi32, #tpu.memory_space<vmem>>, %arg12: memref<8x4096xf32, #tpu.memory_space<vmem>>, %arg13: memref<8x4096xf32, #tpu.memory_space<vmem>>, %arg14: memref<64x512xf32, #tpu.memory_space<vmem>>, %arg15: memref<!tpu.dma_semaphore, #tpu.memory_space<semaphore_mem>>, %arg16: memref<!tpu.dma_semaphore, #tpu.memory_space<semaphore_mem>>, %arg17: memref<!tpu.dma_semaphore, #tpu.memory_space<semaphore_mem>>) attributes {dimension_semantics = [#tpu.dimension_semantics<core_parallel>, #tpu.dimension_semantics<subcore_parallel>], iteration_bounds = array<i64: 2, 16>, scalar_prefetch = 0 : i64, scratch_operands = 8 : i64, tpu.core_type = #tpu.core_type<sc_vector_subcore>, window_params = [{transform_indices = #map}, {transform_indices = #map}, {transform_indices = #map}, {transform_indices = #map1}, {transform_indices = #map}, {transform_indices = #map}, {transform_indices = #map}, {transform_indices = #map}]} {
    %mul3A = arith.constant 2 : i32
    %mul3A_0 = arith.muli %arg1, %mul3A : i32
    %add3A = arith.addi %mul3A_0, %arg0 : i32
    %mul3A_1 = arith.constant 64 : i32
    %mul3A_2 = arith.muli %add3A, %mul3A_1 : i32
    "tpu.region"() ({
      %run_scoped3A = tpu.sem_alloc : memref<!tpu.dma_semaphore, #tpu.memory_space<semaphore_mem>>
      %dma_start3A_14 = tpu.memref_slice %arg5[%mul3A_2] : memref<2048xi32, #tpu.memory_space<hbm>> -> memref<64xi32, #tpu.memory_space<hbm>>
      %dma_start3A_15 = tpu.memref_slice %arg5[%mul3A_2] : memref<2048xi32, #tpu.memory_space<hbm>> -> memref<64xi32, #tpu.memory_space<hbm>>
      tpu.enqueue_dma source(%dma_start3A_15 : memref<64xi32, #tpu.memory_space<hbm>>) target(%arg10 : memref<64xi32, #tpu.memory_space<vmem>>) target_semaphore(%run_scoped3A : memref<!tpu.dma_semaphore, #tpu.memory_space<semaphore_mem>>)
      %dma_wait3A_16 = tpu.memref_slice %arg5[%mul3A_2] : memref<2048xi32, #tpu.memory_space<hbm>> -> memref<64xi32, #tpu.memory_space<hbm>>
      %dma_wait3A_17 = tpu.memref_slice %arg5[%mul3A_2] : memref<2048xi32, #tpu.memory_space<hbm>> -> memref<64xi32, #tpu.memory_space<hbm>>
      tpu.wait_dma2 semaphore(%run_scoped3A : memref<!tpu.dma_semaphore, #tpu.memory_space<semaphore_mem>>) src(%dma_wait3A_17 : memref<64xi32, #tpu.memory_space<hbm>>) dst(%arg10 : memref<64xi32, #tpu.memory_space<vmem>>)
      tpu.yield
    }) : () -> ()
    %mul3A_3 = arith.constant 8 : i32
    %mul3A_4 = arith.muli %add3A, %mul3A_3 : i32
    "tpu.region"() ({
      %run_scoped3A = tpu.sem_alloc : memref<!tpu.dma_semaphore, #tpu.memory_space<semaphore_mem>>
      %dma_start3A_14 = arith.constant 0 : i32
      %dma_start3A_15 = tpu.memref_slice %arg6[%mul3A_4, %dma_start3A_14] : memref<256x8xi32, #tpu.memory_space<hbm>> -> memref<8x8xi32, #tpu.memory_space<hbm>>
      %dma_start3A_16 = arith.constant 0 : i32
      %dma_start3A_17 = tpu.memref_slice %arg6[%mul3A_4, %dma_start3A_16] : memref<256x8xi32, #tpu.memory_space<hbm>> -> memref<8x8xi32, #tpu.memory_space<hbm>>
      tpu.enqueue_dma source(%dma_start3A_17 : memref<8x8xi32, #tpu.memory_space<hbm>>) target(%arg11 : memref<8x8xi32, #tpu.memory_space<vmem>>) target_semaphore(%run_scoped3A : memref<!tpu.dma_semaphore, #tpu.memory_space<semaphore_mem>>)
      %dma_wait3A_18 = arith.constant 0 : i32
      %dma_wait3A_19 = tpu.memref_slice %arg6[%mul3A_4, %dma_wait3A_18] : memref<256x8xi32, #tpu.memory_space<hbm>> -> memref<8x8xi32, #tpu.memory_space<hbm>>
      %dma_wait3A_20 = arith.constant 0 : i32
      %dma_wait3A_21 = tpu.memref_slice %arg6[%mul3A_4, %dma_wait3A_20] : memref<256x8xi32, #tpu.memory_space<hbm>> -> memref<8x8xi32, #tpu.memory_space<hbm>>
      tpu.wait_dma2 semaphore(%run_scoped3A : memref<!tpu.dma_semaphore, #tpu.memory_space<semaphore_mem>>) src(%dma_wait3A_21 : memref<8x8xi32, #tpu.memory_space<hbm>>) dst(%arg11 : memref<8x8xi32, #tpu.memory_space<vmem>>)
      tpu.yield
    }) : () -> ()
    %dma_start3A = arith.constant 0 : i32
    %dma_start3A_5 = arith.constant 0 : i32
    %dma_start3A_6 = tpu.memref_slice %arg4[%dma_start3A, %dma_start3A_5] : memref<4096x512xf32, #tpu.memory_space<hbm>> -> memref<4096x512xf32, #tpu.memory_space<hbm>>
    tpu.enqueue_indirect_dma source(%dma_start3A_6 : memref<4096x512xf32, #tpu.memory_space<hbm>>) target(%arg14 : memref<64x512xf32, #tpu.memory_space<vmem>>) offsets(%arg10 : memref<64xi32, #tpu.memory_space<vmem>>) semaphore(%arg17 : memref<!tpu.dma_semaphore, #tpu.memory_space<semaphore_mem>>)
    %dma_wait3A = arith.constant 0 : i32
    %dma_wait3A_7 = arith.constant 0 : i32
    %dma_wait3A_8 = tpu.memref_slice %arg4[%dma_wait3A, %dma_wait3A_7] : memref<4096x512xf32, #tpu.memory_space<hbm>> -> memref<4096x512xf32, #tpu.memory_space<hbm>>
    tpu.wait_indirect_dma semaphore(%arg17 : memref<!tpu.dma_semaphore, #tpu.memory_space<semaphore_mem>>) src(%dma_wait3A_8 : memref<4096x512xf32, #tpu.memory_space<hbm>>) dst(%arg14 : memref<64x512xf32, #tpu.memory_space<vmem>>)
    "tpu.region"() ({
      %run_scoped3A = tpu.sem_alloc : memref<!tpu.dma_semaphore, #tpu.memory_space<semaphore_mem>>
      %dma_start3A_14 = arith.constant 0 : i32
      %dma_start3A_15 = tpu.memref_slice %arg9[%mul3A_2, %dma_start3A_14] : memref<2048x512xf32, #tpu.memory_space<hbm>> -> memref<64x512xf32, #tpu.memory_space<hbm>>
      %dma_start3A_16 = arith.constant 0 : i32
      %dma_start3A_17 = tpu.memref_slice %arg9[%mul3A_2, %dma_start3A_16] : memref<2048x512xf32, #tpu.memory_space<hbm>> -> memref<64x512xf32, #tpu.memory_space<hbm>>
      tpu.enqueue_dma source(%arg14 : memref<64x512xf32, #tpu.memory_space<vmem>>) target(%dma_start3A_17 : memref<64x512xf32, #tpu.memory_space<hbm>>) target_semaphore(%run_scoped3A : memref<!tpu.dma_semaphore, #tpu.memory_space<semaphore_mem>>)
      %dma_wait3A_18 = arith.constant 0 : i32
      %dma_wait3A_19 = tpu.memref_slice %arg9[%mul3A_2, %dma_wait3A_18] : memref<2048x512xf32, #tpu.memory_space<hbm>> -> memref<64x512xf32, #tpu.memory_space<hbm>>
      %dma_wait3A_20 = arith.constant 0 : i32
      %dma_wait3A_21 = tpu.memref_slice %arg9[%mul3A_2, %dma_wait3A_20] : memref<2048x512xf32, #tpu.memory_space<hbm>> -> memref<64x512xf32, #tpu.memory_space<hbm>>
      tpu.wait_dma2 semaphore(%run_scoped3A : memref<!tpu.dma_semaphore, #tpu.memory_space<semaphore_mem>>) src(%arg14 : memref<64x512xf32, #tpu.memory_space<vmem>>) dst(%dma_wait3A_21 : memref<64x512xf32, #tpu.memory_space<hbm>>)
      tpu.yield
    }) : () -> ()
    %scan3A = arith.constant 0 : i32
    %scan3A_9 = arith.constant 0 : i32
    %scan3A_10 = arith.constant 8 : i32
    %scan3A_11 = arith.addi %scan3A_9, %scan3A_10 : i32
    %scan3A_12 = arith.constant 1 : i32
    scf.for %scan3A_14 = %scan3A_9 to %scan3A_11 step %scan3A_12  : i32 {
      %dma_start3A_15 = arith.constant 0 : i32
      %dma_start3A_16 = tpu.memref_slice %arg11[%scan3A_14, %dma_start3A_15] : memref<8x8xi32, #tpu.memory_space<vmem>> -> memref<1x8xi32, #tpu.memory_space<vmem>>
      %dma_start3A_17 = tpu.memref_squeeze %dma_start3A_16 : memref<1x8xi32, #tpu.memory_space<vmem>> -> memref<8xi32, #tpu.memory_space<vmem>>
      %dma_start3A_18 = arith.constant 0 : i32
      %dma_start3A_19 = arith.constant 0 : i32
      %dma_start3A_20 = tpu.memref_slice %arg2[%dma_start3A_18, %dma_start3A_19] : memref<4096x4096xf32, #tpu.memory_space<hbm>> -> memref<4096x4096xf32, #tpu.memory_space<hbm>>
      tpu.enqueue_indirect_dma source(%dma_start3A_20 : memref<4096x4096xf32, #tpu.memory_space<hbm>>) target(%arg12 : memref<8x4096xf32, #tpu.memory_space<vmem>>) offsets(%dma_start3A_17 : memref<8xi32, #tpu.memory_space<vmem>>) semaphore(%arg15 : memref<!tpu.dma_semaphore, #tpu.memory_space<semaphore_mem>>)
      %dma_start3A_21 = arith.constant 0 : i32
      %dma_start3A_22 = tpu.memref_slice %arg11[%scan3A_14, %dma_start3A_21] : memref<8x8xi32, #tpu.memory_space<vmem>> -> memref<1x8xi32, #tpu.memory_space<vmem>>
      %dma_start3A_23 = tpu.memref_squeeze %dma_start3A_22 : memref<1x8xi32, #tpu.memory_space<vmem>> -> memref<8xi32, #tpu.memory_space<vmem>>
      %dma_start3A_24 = arith.constant 0 : i32
      %dma_start3A_25 = arith.constant 0 : i32
      %dma_start3A_26 = tpu.memref_slice %arg3[%dma_start3A_24, %dma_start3A_25] : memref<4096x4096xf32, #tpu.memory_space<hbm>> -> memref<4096x4096xf32, #tpu.memory_space<hbm>>
      tpu.enqueue_indirect_dma source(%dma_start3A_26 : memref<4096x4096xf32, #tpu.memory_space<hbm>>) target(%arg13 : memref<8x4096xf32, #tpu.memory_space<vmem>>) offsets(%dma_start3A_23 : memref<8xi32, #tpu.memory_space<vmem>>) semaphore(%arg16 : memref<!tpu.dma_semaphore, #tpu.memory_space<semaphore_mem>>)
      %dma_wait3A_27 = arith.constant 0 : i32
      %dma_wait3A_28 = tpu.memref_slice %arg11[%scan3A_14, %dma_wait3A_27] : memref<8x8xi32, #tpu.memory_space<vmem>> -> memref<1x8xi32, #tpu.memory_space<vmem>>
      %dma_wait3A_29 = tpu.memref_squeeze %dma_wait3A_28 : memref<1x8xi32, #tpu.memory_space<vmem>> -> memref<8xi32, #tpu.memory_space<vmem>>
      %dma_wait3A_30 = arith.constant 0 : i32
      %dma_wait3A_31 = arith.constant 0 : i32
      %dma_wait3A_32 = tpu.memref_slice %arg2[%dma_wait3A_30, %dma_wait3A_31] : memref<4096x4096xf32, #tpu.memory_space<hbm>> -> memref<4096x4096xf32, #tpu.memory_space<hbm>>
      tpu.wait_indirect_dma semaphore(%arg15 : memref<!tpu.dma_semaphore, #tpu.memory_space<semaphore_mem>>) src(%dma_wait3A_32 : memref<4096x4096xf32, #tpu.memory_space<hbm>>) dst(%arg12 : memref<8x4096xf32, #tpu.memory_space<vmem>>)
      %mul3A_33 = arith.constant 8 : i32
      %mul3A_34 = arith.muli %scan3A_14, %mul3A_33 : i32
      %add3A_35 = arith.addi %mul3A_2, %mul3A_34 : i32
      "tpu.region"() ({
        %run_scoped3A = tpu.sem_alloc : memref<!tpu.dma_semaphore, #tpu.memory_space<semaphore_mem>>
        %dma_start3A_45 = arith.constant 0 : i32
        %dma_start3A_46 = tpu.memref_slice %arg7[%add3A_35, %dma_start3A_45] : memref<2048x4096xf32, #tpu.memory_space<hbm>> -> memref<8x4096xf32, #tpu.memory_space<hbm>>
        %dma_start3A_47 = arith.constant 0 : i32
        %dma_start3A_48 = tpu.memref_slice %arg7[%add3A_35, %dma_start3A_47] : memref<2048x4096xf32, #tpu.memory_space<hbm>> -> memref<8x4096xf32, #tpu.memory_space<hbm>>
        tpu.enqueue_dma source(%arg12 : memref<8x4096xf32, #tpu.memory_space<vmem>>) target(%dma_start3A_48 : memref<8x4096xf32, #tpu.memory_space<hbm>>) target_semaphore(%run_scoped3A : memref<!tpu.dma_semaphore, #tpu.memory_space<semaphore_mem>>)
        %dma_wait3A_49 = arith.constant 0 : i32
        %dma_wait3A_50 = tpu.memref_slice %arg7[%add3A_35, %dma_wait3A_49] : memref<2048x4096xf32, #tpu.memory_space<hbm>> -> memref<8x4096xf32, #tpu.memory_space<hbm>>
        %dma_wait3A_51 = arith.constant 0 : i32
        %dma_wait3A_52 = tpu.memref_slice %arg7[%add3A_35, %dma_wait3A_51] : memref<2048x4096xf32, #tpu.memory_space<hbm>> -> memref<8x4096xf32, #tpu.memory_space<hbm>>
        tpu.wait_dma2 semaphore(%run_scoped3A : memref<!tpu.dma_semaphore, #tpu.memory_space<semaphore_mem>>) src(%arg12 : memref<8x4096xf32, #tpu.memory_space<vmem>>) dst(%dma_wait3A_52 : memref<8x4096xf32, #tpu.memory_space<hbm>>)
        tpu.yield
      }) : () -> ()
      %dma_wait3A_36 = arith.constant 0 : i32
      %dma_wait3A_37 = tpu.memref_slice %arg11[%scan3A_14, %dma_wait3A_36] : memref<8x8xi32, #tpu.memory_space<vmem>> -> memref<1x8xi32, #tpu.memory_space<vmem>>
      %dma_wait3A_38 = tpu.memref_squeeze %dma_wait3A_37 : memref<1x8xi32, #tpu.memory_space<vmem>> -> memref<8xi32, #tpu.memory_space<vmem>>
      %dma_wait3A_39 = arith.constant 0 : i32
      %dma_wait3A_40 = arith.constant 0 : i32
      %dma_wait3A_41 = tpu.memref_slice %arg3[%dma_wait3A_39, %dma_wait3A_40] : memref<4096x4096xf32, #tpu.memory_space<hbm>> -> memref<4096x4096xf32, #tpu.memory_space<hbm>>
      tpu.wait_indirect_dma semaphore(%arg16 : memref<!tpu.dma_semaphore, #tpu.memory_space<semaphore_mem>>) src(%dma_wait3A_41 : memref<4096x4096xf32, #tpu.memory_space<hbm>>) dst(%arg13 : memref<8x4096xf32, #tpu.memory_space<vmem>>)
      %mul3A_42 = arith.constant 8 : i32
      %mul3A_43 = arith.muli %scan3A_14, %mul3A_42 : i32
      %add3A_44 = arith.addi %mul3A_2, %mul3A_43 : i32
      "tpu.region"() ({
        %run_scoped3A = tpu.sem_alloc : memref<!tpu.dma_semaphore, #tpu.memory_space<semaphore_mem>>
        %dma_start3A_45 = arith.constant 0 : i32
        %dma_start3A_46 = tpu.memref_slice %arg8[%add3A_44, %dma_start3A_45] : memref<2048x4096xf32, #tpu.memory_space<hbm>> -> memref<8x4096xf32, #tpu.memory_space<hbm>>
        %dma_start3A_47 = arith.constant 0 : i32
        %dma_start3A_48 = tpu.memref_slice %arg8[%add3A_44, %dma_start3A_47] : memref<2048x4096xf32, #tpu.memory_space<hbm>> -> memref<8x4096xf32, #tpu.memory_space<hbm>>
        tpu.enqueue_dma source(%arg13 : memref<8x4096xf32, #tpu.memory_space<vmem>>) target(%dma_start3A_48 : memref<8x4096xf32, #tpu.memory_space<hbm>>) target_semaphore(%run_scoped3A : memref<!tpu.dma_semaphore, #tpu.memory_space<semaphore_mem>>)
        %dma_wait3A_49 = arith.constant 0 : i32
        %dma_wait3A_50 = tpu.memref_slice %arg8[%add3A_44, %dma_wait3A_49] : memref<2048x4096xf32, #tpu.memory_space<hbm>> -> memref<8x4096xf32, #tpu.memory_space<hbm>>
        %dma_wait3A_51 = arith.constant 0 : i32
        %dma_wait3A_52 = tpu.memref_slice %arg8[%add3A_44, %dma_wait3A_51] : memref<2048x4096xf32, #tpu.memory_space<hbm>> -> memref<8x4096xf32, #tpu.memory_space<hbm>>
        tpu.wait_dma2 semaphore(%run_scoped3A : memref<!tpu.dma_semaphore, #tpu.memory_space<semaphore_mem>>) src(%arg13 : memref<8x4096xf32, #tpu.memory_space<vmem>>) dst(%dma_wait3A_52 : memref<8x4096xf32, #tpu.memory_space<hbm>>)
        tpu.yield
      }) : () -> ()
    }
    %scan3A_13 = arith.constant 8 : i32
    return
  }
}

module attributes {stable_mosaic.version = 14 : i64} {
  func.func @_topk_body(%arg0: memref<1x4096xf32, #tpu.memory_space<vmem>>, %arg1: memref<4096x1xf32, #tpu.memory_space<vmem>>, %arg2: memref<2048x1xi32, #tpu.memory_space<vmem>>, %arg3: memref<2048x1xf32, #tpu.memory_space<vmem>>, %arg4: memref<1x4096xf32, #tpu.memory_space<vmem>>) attributes {dimension_semantics = [], scalar_prefetch = 0 : i64, scratch_operands = 1 : i64, tpu.core_type = #tpu.core_type<tc>} {
    %scan3A = arith.constant 0 : i32
    %scan3A_0 = arith.constant 8 : i32
    %scan3A_1 = arith.addi %scan3A, %scan3A_0 : i32
    %scan3A_2 = arith.constant 1 : i32
    scf.for %scan3A_9 = %scan3A to %scan3A_1 step %scan3A_2  : i32 {
      %mul3A = arith.constant 512 : i32
      %mul3A_10 = arith.muli %scan3A_9, %mul3A : i32
      %get3A = arith.constant 0 : index
      %get3A_11 = arith.index_cast %mul3A_10 : i32 to index
      %get3A_12 = vector.load %arg0[%get3A, %get3A_11] : memref<1x4096xf32, #tpu.memory_space<vmem>>, vector<1x512xf32>
      %iota3A = tpu.iota {dimensions = array<i32: 1>} : vector<256x512xi32>
      %mul3A_13 = arith.constant 512 : i32
      %mul3A_14 = arith.muli %scan3A_9, %mul3A_13 : i32
      %add3A = vector.broadcast %mul3A_14 : i32 to vector<256x512xi32>
      %add3A_15 = arith.addi %iota3A, %add3A : vector<256x512xi32>
      %broadcast_in_dim3A = arith.constant 0.000000e+00 : f32
      %broadcast_in_dim3A_16 = vector.broadcast %broadcast_in_dim3A : f32 to vector<1x512xf32>
      %scan3A_17 = arith.constant 0 : i32
      %scan3A_18 = arith.constant 16 : i32
      %scan3A_19 = arith.addi %scan3A_17, %scan3A_18 : i32
      %scan3A_20 = arith.constant 1 : i32
      %scan3A_21 = scf.for %scan3A_27 = %scan3A_17 to %scan3A_19 step %scan3A_20 iter_args(%scan3A_28 = %broadcast_in_dim3A_16) -> (vector<1x512xf32>)  : i32 {
        %mul3A_29 = arith.constant 256 : i32
        %mul3A_30 = arith.muli %scan3A_27, %mul3A_29 : i32
        %get3A_31 = arith.index_cast %mul3A_30 : i32 to index
        %get3A_32 = arith.constant 0 : index
        %get3A_33 = vector.load %arg1[%get3A_31, %get3A_32] : memref<4096x1xf32, #tpu.memory_space<vmem>>, vector<256x1xf32>
        %iota3A_34 = tpu.iota {dimensions = array<i32: 0>} : vector<256x512xi32>
        %mul3A_35 = arith.constant 256 : i32
        %mul3A_36 = arith.muli %scan3A_27, %mul3A_35 : i32
        %add3A_37 = vector.broadcast %mul3A_36 : i32 to vector<256x512xi32>
        %add3A_38 = arith.addi %iota3A_34, %add3A_37 : vector<256x512xi32>
        %gt3A = vector.broadcast %get3A_33 : vector<256x1xf32> to vector<256x512xf32>
        %gt3A_39 = vector.broadcast %get3A_12 : vector<1x512xf32> to vector<256x512xf32>
        %gt3A_40 = arith.cmpf ogt, %gt3A, %gt3A_39 : vector<256x512xf32>
        %convert_element_type3A = arith.extui %gt3A_40 : vector<256x512xi1> to vector<256x512xi32>
        %convert_element_type3A_41 = arith.sitofp %convert_element_type3A : vector<256x512xi32> to vector<256x512xf32>
        %eq3A = vector.broadcast %get3A_33 : vector<256x1xf32> to vector<256x512xf32>
        %eq3A_42 = vector.broadcast %get3A_12 : vector<1x512xf32> to vector<256x512xf32>
        %eq3A_43 = arith.cmpf oeq, %eq3A, %eq3A_42 : vector<256x512xf32>
        %lt3A = arith.cmpi slt, %add3A_38, %add3A_15 : vector<256x512xi32>
        %and3A = arith.andi %eq3A_43, %lt3A : vector<256x512xi1>
        %convert_element_type3A_44 = arith.extui %and3A : vector<256x512xi1> to vector<256x512xi32>
        %convert_element_type3A_45 = arith.sitofp %convert_element_type3A_44 : vector<256x512xi32> to vector<256x512xf32>
        %add3A_46 = arith.addf %convert_element_type3A_41, %convert_element_type3A_45 : vector<256x512xf32>
        %reduce_sum3A = arith.constant dense<0.000000e+00> : vector<512xf32>
        %reduce_sum3A_47 = vector.multi_reduction <add>, %add3A_46, %reduce_sum3A [0] : vector<256x512xf32> to vector<512xf32>
        %broadcast_in_dim3A_48 = vector.shape_cast %reduce_sum3A_47 : vector<512xf32> to vector<1x512xf32>
        %add3A_49 = arith.addf %scan3A_28, %broadcast_in_dim3A_48 : vector<1x512xf32>
        scf.yield %add3A_49 : vector<1x512xf32>
      }
      %scan3A_22 = arith.constant 16 : i32
      %mul3A_23 = arith.constant 512 : i32
      %mul3A_24 = arith.muli %scan3A_9, %mul3A_23 : i32
      %swap3A = arith.constant 0 : index
      %swap3A_25 = arith.index_cast %mul3A_24 : i32 to index
      %swap3A_26 = vector.load %arg4[%swap3A, %swap3A_25] : memref<1x4096xf32, #tpu.memory_space<vmem>>, vector<1x512xf32>
      tpu.vector_store %arg4[%swap3A, %swap3A_25], %scan3A_21 {strides = array<i32>} : memref<1x4096xf32, #tpu.memory_space<vmem>>, vector<1x512xf32>,
    }
    %scan3A_3 = arith.constant 8 : i32
    %scan3A_4 = arith.constant 0 : i32
    %scan3A_5 = arith.constant 8 : i32
    %scan3A_6 = arith.addi %scan3A_4, %scan3A_5 : i32
    %scan3A_7 = arith.constant 1 : i32
    scf.for %scan3A_9 = %scan3A_4 to %scan3A_6 step %scan3A_7  : i32 {
      %iota3A = tpu.iota {dimensions = array<i32: 0>} : vector<256x512xi32>
      %mul3A = arith.constant 256 : i32
      %mul3A_10 = arith.muli %scan3A_9, %mul3A : i32
      %add3A = vector.broadcast %mul3A_10 : i32 to vector<256x512xi32>
      %add3A_11 = arith.addi %iota3A, %add3A : vector<256x512xi32>
      %convert_element_type3A = arith.sitofp %add3A_11 : vector<256x512xi32> to vector<256x512xf32>
      %broadcast_in_dim3A = arith.constant 0.000000e+00 : f32
      %broadcast_in_dim3A_12 = vector.broadcast %broadcast_in_dim3A : f32 to vector<256x1xf32>
      %scan3A_13 = arith.constant 0 : i32
      %scan3A_14 = arith.constant 8 : i32
      %scan3A_15 = arith.addi %scan3A_13, %scan3A_14 : i32
      %scan3A_16 = arith.constant 1 : i32
      %scan3A_17:2 = scf.for %scan3A_29 = %scan3A_13 to %scan3A_15 step %scan3A_16 iter_args(%scan3A_30 = %broadcast_in_dim3A_12, %scan3A_31 = %broadcast_in_dim3A_12) -> (vector<256x1xf32>, vector<256x1xf32>)  : i32 {
        %mul3A_32 = arith.constant 512 : i32
        %mul3A_33 = arith.muli %scan3A_29, %mul3A_32 : i32
        %get3A = arith.constant 0 : index
        %get3A_34 = arith.index_cast %mul3A_33 : i32 to index
        %get3A_35 = vector.load %arg4[%get3A, %get3A_34] : memref<1x4096xf32, #tpu.memory_space<vmem>>, vector<1x512xf32>
        %mul3A_36 = arith.constant 512 : i32
        %mul3A_37 = arith.muli %scan3A_29, %mul3A_36 : i32
        %get3A_38 = arith.constant 0 : index
        %get3A_39 = arith.index_cast %mul3A_37 : i32 to index
        %get3A_40 = vector.load %arg0[%get3A_38, %get3A_39] : memref<1x4096xf32, #tpu.memory_space<vmem>>, vector<1x512xf32>
        %iota3A_41 = tpu.iota {dimensions = array<i32: 1>} : vector<256x512xi32>
        %mul3A_42 = arith.constant 512 : i32
        %mul3A_43 = arith.muli %scan3A_29, %mul3A_42 : i32
        %add3A_44 = vector.broadcast %mul3A_43 : i32 to vector<256x512xi32>
        %add3A_45 = arith.addi %iota3A_41, %add3A_44 : vector<256x512xi32>
        %convert_element_type3A_46 = arith.sitofp %add3A_45 : vector<256x512xi32> to vector<256x512xf32>
        %eq3A = vector.broadcast %get3A_35 : vector<1x512xf32> to vector<256x512xf32>
        %eq3A_47 = arith.cmpf oeq, %eq3A, %convert_element_type3A : vector<256x512xf32>
        %jit3A = arith.constant 0.000000e+00 : f32
        %broadcast_in_dim3A_48 = vector.broadcast %jit3A : f32 to vector<256x512xf32>
        %select_n3A = arith.select %eq3A_47, %convert_element_type3A_46, %broadcast_in_dim3A_48 : vector<256x512xi1>, vector<256x512xf32>
        %reduce_sum3A = arith.constant dense<0.000000e+00> : vector<256xf32>
        %reduce_sum3A_49 = vector.multi_reduction <add>, %select_n3A, %reduce_sum3A [1] : vector<256x512xf32> to vector<256xf32>
        %broadcast_in_dim3A_50 = vector.shape_cast %reduce_sum3A_49 : vector<256xf32> to vector<256x1xf32>
        %add3A_51 = arith.addf %scan3A_30, %broadcast_in_dim3A_50 : vector<256x1xf32>
        %jit3A_52 = arith.constant 0.000000e+00 : f32
        %broadcast_in_dim3A_53 = vector.shape_cast %get3A_40 : vector<1x512xf32> to vector<1x512xf32>
        %broadcast_in_dim3A_54 = vector.broadcast %broadcast_in_dim3A_53 : vector<1x512xf32> to vector<256x512xf32>
        %broadcast_in_dim3A_55 = vector.broadcast %jit3A_52 : f32 to vector<256x512xf32>
        %select_n3A_56 = arith.select %eq3A_47, %broadcast_in_dim3A_54, %broadcast_in_dim3A_55 : vector<256x512xi1>, vector<256x512xf32>
        %reduce_sum3A_57 = arith.constant dense<0.000000e+00> : vector<256xf32>
        %reduce_sum3A_58 = vector.multi_reduction <add>, %select_n3A_56, %reduce_sum3A_57 [1] : vector<256x512xf32> to vector<256xf32>
        %broadcast_in_dim3A_59 = vector.shape_cast %reduce_sum3A_58 : vector<256xf32> to vector<256x1xf32>
        %add3A_60 = arith.addf %scan3A_31, %broadcast_in_dim3A_59 : vector<256x1xf32>
        scf.yield %add3A_51, %add3A_60 : vector<256x1xf32>, vector<256x1xf32>
      }
      %scan3A_18 = arith.constant 8 : i32
      %convert_element_type3A_19 = arith.fptosi %scan3A_17#0 : vector<256x1xf32> to vector<256x1xi32>
      %mul3A_20 = arith.constant 256 : i32
      %mul3A_21 = arith.muli %scan3A_9, %mul3A_20 : i32
      %swap3A = arith.index_cast %mul3A_21 : i32 to index
      %swap3A_22 = arith.constant 0 : index
      %swap3A_23 = vector.load %arg2[%swap3A, %swap3A_22] : memref<2048x1xi32, #tpu.memory_space<vmem>>, vector<256x1xi32>
      tpu.vector_store %arg2[%swap3A, %swap3A_22], %convert_element_type3A_19 {strides = array<i32>} : memref<2048x1xi32, #tpu.memory_space<vmem>>, vector<256x1xi32>,
      %mul3A_24 = arith.constant 256 : i32
      %mul3A_25 = arith.muli %scan3A_9, %mul3A_24 : i32
      %swap3A_26 = arith.index_cast %mul3A_25 : i32 to index
      %swap3A_27 = arith.constant 0 : index
      %swap3A_28 = vector.load %arg3[%swap3A_26, %swap3A_27] : memref<2048x1xf32, #tpu.memory_space<vmem>>, vector<256x1xf32>
      tpu.vector_store %arg3[%swap3A_26, %swap3A_27], %scan3A_17#1 {strides = array<i32>} : memref<2048x1xf32, #tpu.memory_space<vmem>>, vector<256x1xf32>,
    }
    %scan3A_8 = arith.constant 8 : i32
    return
  }
}

module attributes {stable_mosaic.version = 14 : i64} {
  func.func @_prep_body(%arg0: i32, %arg1: i32, %arg2: memref<512x512xf32, #tpu.memory_space<vmem>>, %arg3: memref<512x512xbf16, #tpu.memory_space<vmem>>, %arg4: memref<512x512xf32, #tpu.memory_space<vmem>>) attributes {dimension_semantics = [#tpu.dimension_semantics<arbitrary>, #tpu.dimension_semantics<arbitrary>], iteration_bounds = array<i64: 8, 8>, scalar_prefetch = 0 : i64, scratch_operands = 0 : i64, tpu.core_type = #tpu.core_type<tc>, window_params = [{transform_indices = @transform_0, window_bounds = array<i64: 512, 512>}, {transform_indices = @transform_1, window_bounds = array<i64: 512, 512>}, {transform_indices = @transform_2, window_bounds = array<i64: 512, 512>}]} {
    %get3A = arith.constant 0 : index
    %get3A_0 = arith.constant 0 : index
    %get3A_1 = vector.load %arg2[%get3A, %get3A_0] : memref<512x512xf32, #tpu.memory_space<vmem>>, vector<512x512xf32>
    %ne3A = arith.constant 0.000000e+00 : f32
    %ne3A_2 = vector.broadcast %ne3A : f32 to vector<512x512xf32>
    %ne3A_3 = arith.cmpf one, %get3A_1, %ne3A_2 : vector<512x512xf32>
    %convert_element_type3A = arith.extui %ne3A_3 : vector<512x512xi1> to vector<512x512xi32>
    %convert_element_type3A_4 = arith.sitofp %convert_element_type3A : vector<512x512xi32> to vector<512x512xf32>
    %convert_element_type3A_5 = arith.truncf %convert_element_type3A_4 : vector<512x512xf32> to vector<512x512xbf16>
    %swap3A = arith.constant 0 : index
    %swap3A_6 = arith.constant 0 : index
    %swap3A_7 = vector.load %arg3[%swap3A, %swap3A_6] : memref<512x512xbf16, #tpu.memory_space<vmem>>, vector<512x512xbf16>
    tpu.vector_store %arg3[%swap3A, %swap3A_6], %convert_element_type3A_5 {strides = array<i32>} : memref<512x512xbf16, #tpu.memory_space<vmem>>, vector<512x512xbf16>,
    %transpose3A = tpu.transpose %get3A_1, [1, 0] : vector<512x512xf32> -> vector<512x512xf32>
    %swap3A_8 = arith.constant 0 : index
    %swap3A_9 = arith.constant 0 : index
    %swap3A_10 = vector.load %arg4[%swap3A_8, %swap3A_9] : memref<512x512xf32, #tpu.memory_space<vmem>>, vector<512x512xf32>
    tpu.vector_store %arg4[%swap3A_8, %swap3A_9], %transpose3A {strides = array<i32>} : memref<512x512xf32, #tpu.memory_space<vmem>>, vector<512x512xf32>,
    return
  }
  func.func @transform_0(%arg0: i32, %arg1: i32) -> (i32, i32) {
    %c0_i32 = arith.constant 0 : i32
    return %arg0, %arg1 : i32, i32
  }
  func.func @transform_1(%arg0: i32, %arg1: i32) -> (i32, i32) {
    %c0_i32 = arith.constant 0 : i32
    return %arg0, %arg1 : i32, i32
  }
  func.func @transform_2(%arg0: i32, %arg1: i32) -> (i32, i32) {
    %c0_i32 = arith.constant 0 : i32
    return %arg1, %arg0 : i32, i32
  }
}

module attributes {stable_mosaic.version = 14 : i64} {
  func.func @_mm1_body(%arg0: i32, %arg1: i32, %arg2: i32, %arg3: memref<512x512xf32, #tpu.memory_space<vmem>>, %arg4: memref<512x1024xbf16, #tpu.memory_space<vmem>>, %arg5: memref<512x1024xbf16, #tpu.memory_space<vmem>>, %arg6: memref<512x1024xf32, #tpu.memory_space<vmem>>) attributes {dimension_semantics = [#tpu.dimension_semantics<parallel>, #tpu.dimension_semantics<parallel>, #tpu.dimension_semantics<arbitrary>], iteration_bounds = array<i64: 4, 4, 8>, scalar_prefetch = 0 : i64, scratch_operands = 1 : i64, tpu.core_type = #tpu.core_type<tc>, window_params = [{transform_indices = @transform_0, window_bounds = array<i64: 512, 512>}, {transform_indices = @transform_1, window_bounds = array<i64: 512, 1024>}, {transform_indices = @transform_2, window_bounds = array<i64: 512, 1024>}]} {
    %eq3A = arith.constant 0 : i32
    %eq3A_0 = arith.cmpi eq, %arg2, %eq3A : i32
    %convert_element_type3A = arith.extui %eq3A_0 : i1 to i32
    %cond3A = arith.constant 0 : i32
    %cond3A_1 = arith.cmpi ne, %convert_element_type3A, %cond3A : i32
    scf.if %cond3A_1 {
      %broadcast_in_dim3A = arith.constant 0.000000e+00 : f32
      %broadcast_in_dim3A_23 = vector.broadcast %broadcast_in_dim3A : f32 to vector<512x1024xf32>
      %swap3A_24 = arith.constant 0 : index
      %swap3A_25 = arith.constant 0 : index
      %swap3A_26 = vector.load %arg6[%swap3A_24, %swap3A_25] : memref<512x1024xf32, #tpu.memory_space<vmem>>, vector<512x1024xf32>
      tpu.vector_store %arg6[%swap3A_24, %swap3A_25], %broadcast_in_dim3A_23 {strides = array<i32>} : memref<512x1024xf32, #tpu.memory_space<vmem>>, vector<512x1024xf32>,
    } else {
    }
    %get3A = arith.constant 0 : index
    %get3A_2 = arith.constant 0 : index
    %get3A_3 = vector.load %arg3[%get3A, %get3A_2] : memref<512x512xf32, #tpu.memory_space<vmem>>, vector<512x512xf32>
    %ne3A = arith.constant 0.000000e+00 : f32
    %ne3A_4 = vector.broadcast %ne3A : f32 to vector<512x512xf32>
    %ne3A_5 = arith.cmpf one, %get3A_3, %ne3A_4 : vector<512x512xf32>
    %convert_element_type3A_6 = arith.extui %ne3A_5 : vector<512x512xi1> to vector<512x512xi32>
    %convert_element_type3A_7 = arith.sitofp %convert_element_type3A_6 : vector<512x512xi32> to vector<512x512xf32>
    %convert_element_type3A_8 = arith.truncf %convert_element_type3A_7 : vector<512x512xf32> to vector<512x512xbf16>
    %get3A_9 = arith.constant 0 : index
    %get3A_10 = arith.constant 0 : index
    %get3A_11 = vector.load %arg6[%get3A_9, %get3A_10] : memref<512x1024xf32, #tpu.memory_space<vmem>>, vector<512x1024xf32>
    %get3A_12 = arith.constant 0 : index
    %get3A_13 = arith.constant 0 : index
    %get3A_14 = vector.load %arg4[%get3A_12, %get3A_13] : memref<512x1024xbf16, #tpu.memory_space<vmem>>, vector<512x1024xbf16>
    %dot_general3A = arith.constant dense<0.000000e+00> : vector<512x1024xf32>
    %dot_general3A_15 = tpu.matmul %convert_element_type3A_8, %get3A_14, %dot_general3A {dimension_numbers = #tpu.dot_dimension_numbers<[1], [0], [0], [1], [0, 0, 1, 1], [], []>, transpose_lhs_hint = false} : vector<512x512xbf16>, vector<512x1024xbf16>, vector<512x1024xf32> -> vector<512x1024xf32>
    %add3A = arith.addf %get3A_11, %dot_general3A_15 : vector<512x1024xf32>
    %swap3A = arith.constant 0 : index
    %swap3A_16 = arith.constant 0 : index
    %swap3A_17 = vector.load %arg6[%swap3A, %swap3A_16] : memref<512x1024xf32, #tpu.memory_space<vmem>>, vector<512x1024xf32>
    tpu.vector_store %arg6[%swap3A, %swap3A_16], %add3A {strides = array<i32>} : memref<512x1024xf32, #tpu.memory_space<vmem>>, vector<512x1024xf32>,
    %eq3A_18 = arith.constant 7 : i32
    %eq3A_19 = arith.cmpi eq, %arg2, %eq3A_18 : i32
    %convert_element_type3A_20 = arith.extui %eq3A_19 : i1 to i32
    %cond3A_21 = arith.constant 0 : i32
    %cond3A_22 = arith.cmpi ne, %convert_element_type3A_20, %cond3A_21 : i32
    scf.if %cond3A_22 {
      %get3A_23 = arith.constant 0 : index
      %get3A_24 = arith.constant 0 : index
      %get3A_25 = vector.load %arg6[%get3A_23, %get3A_24] : memref<512x1024xf32, #tpu.memory_space<vmem>>, vector<512x1024xf32>
      %gt3A = arith.constant 5.000000e-01 : f32
      %gt3A_26 = vector.broadcast %gt3A : f32 to vector<512x1024xf32>
      %gt3A_27 = arith.cmpf ogt, %get3A_25, %gt3A_26 : vector<512x1024xf32>
      %convert_element_type3A_28 = arith.extui %gt3A_27 : vector<512x1024xi1> to vector<512x1024xi32>
      %convert_element_type3A_29 = arith.sitofp %convert_element_type3A_28 : vector<512x1024xi32> to vector<512x1024xf32>
      %convert_element_type3A_30 = arith.truncf %convert_element_type3A_29 : vector<512x1024xf32> to vector<512x1024xbf16>
      %swap3A_31 = arith.constant 0 : index
      %swap3A_32 = arith.constant 0 : index
      %swap3A_33 = vector.load %arg5[%swap3A_31, %swap3A_32] : memref<512x1024xbf16, #tpu.memory_space<vmem>>, vector<512x1024xbf16>
      tpu.vector_store %arg5[%swap3A_31, %swap3A_32], %convert_element_type3A_30 {strides = array<i32>} : memref<512x1024xbf16, #tpu.memory_space<vmem>>, vector<512x1024xbf16>,
    } else {
    }
    return
  }
  func.func @transform_0(%arg0: i32, %arg1: i32, %arg2: i32) -> (i32, i32) {
    %c0_i32 = arith.constant 0 : i32
    return %arg0, %arg2 : i32, i32
  }
  func.func @transform_1(%arg0: i32, %arg1: i32, %arg2: i32) -> (i32, i32) {
    %c0_i32 = arith.constant 0 : i32
    return %arg2, %arg1 : i32, i32
  }
  func.func @transform_2(%arg0: i32, %arg1: i32, %arg2: i32) -> (i32, i32) {
    %c0_i32 = arith.constant 0 : i32
    return %arg0, %arg1 : i32, i32
  }
}

module attributes {stable_mosaic.version = 14 : i64} {
  func.func @_mm2_body(%arg0: i32, %arg1: i32, %arg2: memref<256x256xbf16, #tpu.memory_space<vmem>>, %arg3: memref<2048x256xf32, #tpu.memory_space<vmem>>, %arg4: memref<256x2048xf32, #tpu.memory_space<vmem>>, %arg5: memref<256x2048xf32, #tpu.memory_space<vmem>>) attributes {dimension_semantics = [#tpu.dimension_semantics<parallel>, #tpu.dimension_semantics<arbitrary>], iteration_bounds = array<i64: 8, 16>, scalar_prefetch = 0 : i64, scratch_operands = 1 : i64, tpu.core_type = #tpu.core_type<tc>, window_params = [{transform_indices = @transform_0, window_bounds = array<i64: 256, 256>}, {transform_indices = @transform_1, window_bounds = array<i64: 2048, 256>}, {transform_indices = @transform_2, window_bounds = array<i64: 256, 2048>}]} {
    %eq3A = arith.constant 0 : i32
    %eq3A_0 = arith.cmpi eq, %arg1, %eq3A : i32
    %convert_element_type3A = arith.extui %eq3A_0 : i1 to i32
    %cond3A = arith.constant 0 : i32
    %cond3A_1 = arith.cmpi ne, %convert_element_type3A, %cond3A : i32
    scf.if %cond3A_1 {
      %broadcast_in_dim3A = arith.constant 0.000000e+00 : f32
      %broadcast_in_dim3A_23 = vector.broadcast %broadcast_in_dim3A : f32 to vector<256x2048xf32>
      %swap3A_24 = arith.constant 0 : index
      %swap3A_25 = arith.constant 0 : index
      %swap3A_26 = vector.load %arg5[%swap3A_24, %swap3A_25] : memref<256x2048xf32, #tpu.memory_space<vmem>>, vector<256x2048xf32>
      tpu.vector_store %arg5[%swap3A_24, %swap3A_25], %broadcast_in_dim3A_23 {strides = array<i32>} : memref<256x2048xf32, #tpu.memory_space<vmem>>, vector<256x2048xf32>,
    } else {
    }
    %get3A = arith.constant 0 : index
    %get3A_2 = arith.constant 0 : index
    %get3A_3 = vector.load %arg3[%get3A, %get3A_2] : memref<2048x256xf32, #tpu.memory_space<vmem>>, vector<2048x256xf32>
    %ne3A = arith.constant 0.000000e+00 : f32
    %ne3A_4 = vector.broadcast %ne3A : f32 to vector<2048x256xf32>
    %ne3A_5 = arith.cmpf one, %get3A_3, %ne3A_4 : vector<2048x256xf32>
    %convert_element_type3A_6 = arith.extui %ne3A_5 : vector<2048x256xi1> to vector<2048x256xi32>
    %convert_element_type3A_7 = arith.sitofp %convert_element_type3A_6 : vector<2048x256xi32> to vector<2048x256xf32>
    %convert_element_type3A_8 = arith.truncf %convert_element_type3A_7 : vector<2048x256xf32> to vector<2048x256xbf16>
    %get3A_9 = arith.constant 0 : index
    %get3A_10 = arith.constant 0 : index
    %get3A_11 = vector.load %arg5[%get3A_9, %get3A_10] : memref<256x2048xf32, #tpu.memory_space<vmem>>, vector<256x2048xf32>
    %get3A_12 = arith.constant 0 : index
    %get3A_13 = arith.constant 0 : index
    %get3A_14 = vector.load %arg2[%get3A_12, %get3A_13] : memref<256x256xbf16, #tpu.memory_space<vmem>>, vector<256x256xbf16>
    %dot_general3A = arith.constant dense<0.000000e+00> : vector<256x2048xf32>
    %dot_general3A_15 = tpu.matmul %get3A_14, %convert_element_type3A_8, %dot_general3A {dimension_numbers = #tpu.dot_dimension_numbers<[1], [1], [0], [0], [0, 0, 1, 0], [], []>, transpose_lhs_hint = false} : vector<256x256xbf16>, vector<2048x256xbf16>, vector<256x2048xf32> -> vector<256x2048xf32>
    %add3A = arith.addf %get3A_11, %dot_general3A_15 : vector<256x2048xf32>
    %swap3A = arith.constant 0 : index
    %swap3A_16 = arith.constant 0 : index
    %swap3A_17 = vector.load %arg5[%swap3A, %swap3A_16] : memref<256x2048xf32, #tpu.memory_space<vmem>>, vector<256x2048xf32>
    tpu.vector_store %arg5[%swap3A, %swap3A_16], %add3A {strides = array<i32>} : memref<256x2048xf32, #tpu.memory_space<vmem>>, vector<256x2048xf32>,
    %eq3A_18 = arith.constant 15 : i32
    %eq3A_19 = arith.cmpi eq, %arg1, %eq3A_18 : i32
    %convert_element_type3A_20 = arith.extui %eq3A_19 : i1 to i32
    %cond3A_21 = arith.constant 0 : i32
    %cond3A_22 = arith.cmpi ne, %convert_element_type3A_20, %cond3A_21 : i32
    scf.if %cond3A_22 {
      %get3A_23 = arith.constant 0 : index
      %get3A_24 = arith.constant 0 : index
      %get3A_25 = vector.load %arg5[%get3A_23, %get3A_24] : memref<256x2048xf32, #tpu.memory_space<vmem>>, vector<256x2048xf32>
      %gt3A = arith.constant 5.000000e-01 : f32
      %gt3A_26 = vector.broadcast %gt3A : f32 to vector<256x2048xf32>
      %gt3A_27 = arith.cmpf ogt, %get3A_25, %gt3A_26 : vector<256x2048xf32>
      %convert_element_type3A_28 = arith.extui %gt3A_27 : vector<256x2048xi1> to vector<256x2048xi32>
      %convert_element_type3A_29 = arith.sitofp %convert_element_type3A_28 : vector<256x2048xi32> to vector<256x2048xf32>
      %reduce_sum3A = arith.constant dense<0.000000e+00> : vector<256xf32>
      %reduce_sum3A_30 = vector.multi_reduction <add>, %convert_element_type3A_29, %reduce_sum3A [1] : vector<256x2048xf32> to vector<256xf32>
      %broadcast_in_dim3A = vector.shape_cast %reduce_sum3A_30 : vector<256xf32> to vector<256x1xf32>
      %add3A_31 = arith.constant 9.99999993E-9 : f32
      %add3A_32 = vector.broadcast %add3A_31 : f32 to vector<256x1xf32>
      %add3A_33 = arith.addf %broadcast_in_dim3A, %add3A_32 : vector<256x1xf32>
      %div3A = vector.broadcast %add3A_33 : vector<256x1xf32> to vector<256x2048xf32>
      %div3A_34 = arith.divf %convert_element_type3A_29, %div3A : vector<256x2048xf32>
      %swap3A_35 = arith.constant 0 : index
      %swap3A_36 = arith.constant 0 : index
      %swap3A_37 = vector.load %arg4[%swap3A_35, %swap3A_36] : memref<256x2048xf32, #tpu.memory_space<vmem>>, vector<256x2048xf32>
      tpu.vector_store %arg4[%swap3A_35, %swap3A_36], %div3A_34 {strides = array<i32>} : memref<256x2048xf32, #tpu.memory_space<vmem>>, vector<256x2048xf32>,
    } else {
    }
    return
  }
  func.func @transform_0(%arg0: i32, %arg1: i32) -> (i32, i32) {
    %c0_i32 = arith.constant 0 : i32
    return %arg0, %arg1 : i32, i32
  }
  func.func @transform_1(%arg0: i32, %arg1: i32) -> (i32, i32) {
    %c0_i32 = arith.constant 0 : i32
    %c0_i32_0 = arith.constant 0 : i32
    return %c0_i32, %arg1 : i32, i32
  }
  func.func @transform_2(%arg0: i32, %arg1: i32) -> (i32, i32) {
    %c0_i32 = arith.constant 0 : i32
    %c0_i32_0 = arith.constant 0 : i32
    return %arg0, %c0_i32 : i32, i32
  }
}

module attributes {stable_mosaic.version = 14 : i64} {
  func.func @_scale_body(%arg0: i32, %arg1: memref<256x512xf32, #tpu.memory_space<vmem>>, %arg2: memref<256x1xf32, #tpu.memory_space<vmem>>, %arg3: memref<256x512xf32, #tpu.memory_space<vmem>>) attributes {dimension_semantics = [#tpu.dimension_semantics<arbitrary>], iteration_bounds = array<i64: 8>, scalar_prefetch = 0 : i64, scratch_operands = 0 : i64, tpu.core_type = #tpu.core_type<tc>, window_params = [{transform_indices = @transform_0, window_bounds = array<i64: 256, 512>}, {transform_indices = @transform_1, window_bounds = array<i64: 256, 1>}, {transform_indices = @transform_2, window_bounds = array<i64: 256, 512>}]} {
    %get3A = arith.constant 0 : index
    %get3A_0 = arith.constant 0 : index
    %get3A_1 = vector.load %arg1[%get3A, %get3A_0] : memref<256x512xf32, #tpu.memory_space<vmem>>, vector<256x512xf32>
    %get3A_2 = arith.constant 0 : index
    %get3A_3 = arith.constant 0 : index
    %get3A_4 = vector.load %arg2[%get3A_2, %get3A_3] : memref<256x1xf32, #tpu.memory_space<vmem>>, vector<256x1xf32>
    %mul3A = vector.broadcast %get3A_4 : vector<256x1xf32> to vector<256x512xf32>
    %mul3A_5 = arith.mulf %get3A_1, %mul3A : vector<256x512xf32>
    %swap3A = arith.constant 0 : index
    %swap3A_6 = arith.constant 0 : index
    %swap3A_7 = vector.load %arg3[%swap3A, %swap3A_6] : memref<256x512xf32, #tpu.memory_space<vmem>>, vector<256x512xf32>
    tpu.vector_store %arg3[%swap3A, %swap3A_6], %mul3A_5 {strides = array<i32>} : memref<256x512xf32, #tpu.memory_space<vmem>>, vector<256x512xf32>,
    return
  }
  func.func @transform_0(%arg0: i32) -> (i32, i32) {
    %c0_i32 = arith.constant 0 : i32
    %c0_i32_0 = arith.constant 0 : i32
    return %arg0, %c0_i32 : i32, i32
  }
  func.func @transform_1(%arg0: i32) -> (i32, i32) {
    %c0_i32 = arith.constant 0 : i32
    %c0_i32_0 = arith.constant 0 : i32
    return %arg0, %c0_i32 : i32, i32
  }
  func.func @transform_2(%arg0: i32) -> (i32, i32) {
    %c0_i32 = arith.constant 0 : i32
    %c0_i32_0 = arith.constant 0 : i32
    return %arg0, %c0_i32 : i32, i32
  }
}

</mosaic_0001>

<sc_bundles>
// kernel: kernel.8.cloned.1.call-start
scs
__scs_entry_jumppad:
0x0: {  	(pc) =	sbr.rel $0x88, $3  }
0x1: {  	(tag) =	ssettag $0x0;
	lr =	simm.s32 $0x1  }
0x2: {  	[smem:$0x3F98] =	sst lr;
	_ =	strace $0xD0000000  }
0x3: {  	_ = 	snop  }
0x4: {  	_ = 	snop  }
0x5: {  	_ = 	snop  }
0x6: {  	_ = 	snop  }
0x7: {  	_ = 	snop  }
__scs_overlays_trampoline_lowered:
0x8: {  	[smem:$0x3FA7] =	sst s0  }
0x9: {  	[smem:$0x3FA8] =	sst s1  }
0xa: {  	[smem:$0x3FA9] =	sst s2  }
0xb: {  	[smem:$0x3FAA] =	sst s3  }
0xc: {  	[smem:$0x3FAB] =	sst s4  }
0xd: {  	[smem:$0x3FAC] =	sst s5  }
0xe: {  	[smem:$0x3FAD] =	sst s6  }
0xf: {  	[smem:$0x3FAE] =	sst s7  }
0x10: {  	[smem:$0x3FAF] =	sst s8  }
0x11: {  	[smem:$0x3FB0] =	sst s9;
	s0 =	simm.s32 @!p0 $0x0  }
0x12: {  	s1 =	sld [smem:$0x3F96];
	s0 =	simm.s32 @p0 $0x1  }
0x13: {  	[smem:$0x3FB1] =	sst s0;
	s0 =	simm.s32 @!p1 $0x0  }
0x14: {  	s2 =	sld [smem:$0x3F95];
	s0 =	simm.s32 @p1 $0x1  }
0x15: {  	[smem:$0x3FB2] =	sst s0;
	s0 =	simm.s32 @!p2 $0x0  }
0x16: {  	s3 =	sld [smem:$0x3FDB];
	s0 =	simm.s32 @p2 $0x1  }
0x17: {  	s4 =	simm.s32 $0x1BF5;
	[smem:$0x3FB4] =	sst s0  }
0x18: {  	s0 =	sld [smem:$0x3F97];
	_ =	swait.ge [sflag:s4], $0x0  }
0x19: {  	s7 =	sld [smem:$0x3F98]  }
0x1a: {  	s8 =	sadd.s32 $0xFFFFE003, lr  }
0x1b: {  	s9 =	sadd.s32 $0xFFFFFEF7, lr;
	s5 =	simm.s32 $0xFFFFFFFF;
	p2 =	slt.u32 s8, $0xFFFFF086  }
0x1c: {  	p1 =	slt.u32 s9, $0xF7A;
	s5 =	simm.s32 @!p2 $0x0  }
0x1d: {  	s5 =	simm.s32 @p1 $0x1;
	p0 =	seq.s32 s7, s2  }
0x1e: {  	s7 =	smul.u32 @!p0 $0xF7A, s2;
	p2 =	seq.s32 @!p0 s5, $0x0  }
0x1f: {  	s9 =	smul.u32 $0xF7A, s1;
	s8 =	simm.s32 @!p0 $0x1BF5;
	p2 =	por !p2, p0  }
0x20: {  	[sflag:s8] =	ssyncset.s32 @!p0 $0xFFFFF086;
	s6 =	sadd.s32 @!p0 s3, s7;
	s7 =	simm.s32 @!p0 $0x108  }
0x21: {  	s3 =	sadd.s32 s3, s9;
	s6 =	sadd.s32 @!p0 $0x88, s6;
	s7 =	simm.s32 @p2 $0x1082  }
0x22: {  	[simem:s7], [sflag:s8] =	dma.local @!p0 [hbm:s6], $0xF7A  }
0x23: {  	s9 =	sor.u32 $0xD0000000, s2;
	s6 =	simm.s32 $0x108;
	_ =	swait.ge @!p0 [sflag:s8], $0x0  }
0x24: {  	s3 =	sadd.s32 $0x88, s3;
	s6 =	simm.s32 @!p1 $0x1082;
	[sflag:s4] =	ssyncset.s32 $0xFFFFF086  }
0x25: {  	[simem:s6], [sflag:s4] =	dma.local [hbm:s3], $0xF7A  }
0x26: {  	[smem:$0x3F98] =	sst s1;
	(tag) =	ssettag s2;
	_ =	strace s9  }
0x27: {  	s1 =	sld [smem:$0x3FA8]  }
0x28: {  	s2 =	sld [smem:$0x3FA9]  }
0x29: {  	s4 =	sld [smem:$0x3FAB]  }
0x2a: {  	p0 =	seq.s32 s5, $0x0;
	s5 =	sld [smem:$0x3FAC]  }
0x2b: {  	s6 =	sld [smem:$0x3FAD]  }
0x2c: {  	s7 =	sld [smem:$0x3FAE]  }
0x2d: {  	s3 =	simm.s32 $0x108;
	s8 =	sld [smem:$0x3FAF]  }
0x2e: {  	s3 =	simm.s32 @!p0 $0x1082;
	s9 =	sld [smem:$0x3FB0]  }
0x2f: {  	lr =	sadd.s32 s0, s3;
	s0 =	sld [smem:$0x3FA7]  }
0x30: {  	s3 =	sld [smem:$0x3FAA]  }
0x31: {  	[smem:$0x3FB3] =	sst s10  }
0x32: {  	s10 =	sld [smem:$0x3FB1];
	_ =	sdelay $0x3  }
0x33: {  	p0 =	seq.s32 s10, $0x1;
	s10 =	sld [smem:$0x3FB3];
	_ =	sdelay $0x3  }
0x34: {  	[smem:$0x3FB3] =	sst s10  }
0x35: {  	s10 =	sld [smem:$0x3FB2];
	_ =	sdelay $0x3  }
0x36: {  	p1 =	seq.s32 s10, $0x1;
	s10 =	sld [smem:$0x3FB3];
	_ =	sdelay $0x3  }
0x37: {  	[smem:$0x3FB3] =	sst s10  }
0x38: {  	s10 =	sld [smem:$0x3FB4]  }
0x39: {  	_ = 	snop;
	(pc) =	sbr.ind lr, $3  }
0x3a: {  	_ = 	snop  }
0x3b: {  	_ = 	snop  }
0x3c: {  	p2 =	seq.s32 s10, $0x1;
	s10 =	sld [smem:$0x3FB3]  }
0x3d: {  	_ =	shalt  }
0x3e: {  	_ =	shalt  }
0x3f: {  	_ =	shalt  }
0x40: {  	_ =	shalt  }
0x41: {  	_ =	shalt  }
0x42: {  	_ =	shalt  }
0x43: {  	_ =	shalt  }
0x44: {  	_ =	shalt  }
0x45: {  	_ =	shalt  }
0x46: {  	_ =	shalt  }
0x47: {  	_ =	shalt  }
0x48: {  	_ =	shalt  }
0x49: {  	_ =	shalt  }
0x4a: {  	_ =	shalt  }
0x4b: {  	_ =	shalt  }
0x4c: {  	_ =	shalt  }
0x4d: {  	_ =	shalt  }
0x4e: {  	_ =	shalt  }
0x4f: {  	_ =	shalt  }
0x50: {  	_ =	shalt  }
0x51: {  	_ =	shalt  }
0x52: {  	_ =	shalt  }
0x53: {  	_ =	shalt  }
0x54: {  	_ =	shalt  }
0x55: {  	_ =	shalt  }
0x56: {  	_ =	shalt  }
0x57: {  	_ =	shalt  }
0x58: {  	_ =	shalt  }
0x59: {  	_ =	shalt  }
0x5a: {  	_ =	shalt  }
0x5b: {  	_ =	shalt  }
0x5c: {  	_ =	shalt  }
0x5d: {  	_ =	shalt  }
0x5e: {  	_ =	shalt  }
0x5f: {  	_ =	shalt  }
0x60: {  	_ =	shalt  }
0x61: {  	_ =	shalt  }
0x62: {  	_ =	shalt  }
0x63: {  	_ =	shalt  }
0x64: {  	_ =	shalt  }
0x65: {  	_ =	shalt  }
0x66: {  	_ =	shalt  }
0x67: {  	_ =	shalt  }
0x68: {  	_ =	shalt  }
0x69: {  	_ =	shalt  }
0x6a: {  	_ =	shalt  }
0x6b: {  	_ =	shalt  }
0x6c: {  	_ =	shalt  }
0x6d: {  	_ =	shalt  }
0x6e: {  	_ =	shalt  }
0x6f: {  	_ =	shalt  }
0x70: {  	_ =	shalt  }
0x71: {  	_ =	shalt  }
0x72: {  	_ =	shalt  }
0x73: {  	_ =	shalt  }
0x74: {  	_ =	shalt  }
0x75: {  	_ =	shalt  }
0x76: {  	_ =	shalt  }
0x77: {  	_ =	shalt  }
0x78: {  	_ =	shalt  }
0x79: {  	_ =	shalt  }
0x7a: {  	_ =	shalt  }
0x7b: {  	_ =	shalt  }
0x7c: {  	_ =	shalt  }
0x7d: {  	_ =	shalt  }
0x7e: {  	_ =	shalt  }
0x7f: {  	_ =	shalt  }
0x80: {  	_ =	shalt  }
0x81: {  	_ =	shalt  }
0x82: {  	_ =	shalt  }
0x83: {  	_ =	shalt  }
0x84: {  	_ =	shalt  }
0x85: {  	_ =	shalt  }
0x86: {  	_ =	shalt  }
0x87: {  	_ =	shalt  }
.Lfunc_end0:
.L_simem_size_0:
called_computation_lowered:
.L_overlay_start_0:
0x88: {  	s2 =	sld [smem:$0x3FD9]  }
0x89: {  	s3 =	sld [smem:$0x3FFE];
	_ =	sdelay $0x1  }
0x8a: {  	s1 =	srdreg.scid  }
0x8b: {  	s0 =	sand.u32 $0x1, s1  }
0x8c: {  	s14 =	sshll.u32 s0, $0xA;
	s2 =	sadd.s32 s3, s2  }
0x8d: {  	s2 =	sadd.s32 s2, s14  }
0x8e: {  	[smem:$0x3FBF] =	sst s2  }
0x8f: {  	_ = 	snop  }
0x90: {  	s2 =	sld [smem:$0x3FD0];
	_ =	sdelay $0x1  }
0x91: {  	s15 =	sld [smem:$0x3FC9]  }
0x92: {  	s5 =	simm.s32 $0xA;
	s6 =	simm.s32 $0x10;
	s4 =	sld [smem:$0x3FC8]  }
0x93: {  	[smem:s6], [sflag:s5] =	dma.local [hbm:s2], $0x1  }
0x94: {  	_ =	swait.eq [sflag:s5], $0x1  }
0x95: {  	s16 =	sld [smem:$0x10];
	[sflag:s5] =	ssyncset.done $0x0  }
0x96: {  	s17 =	sld [smem:$0x11];
	[sflag:s5] =	ssyncadd.s32 $0xFFFFFFFF  }
0x97: {  	s18 =	sld [smem:$0x12];
	(tm) =	ssettm $0x1  }
0x98: {  	s7 =	sld [smem:$0x3FFB];
	_ =	sdelay $0x3  }
0x99: {  	_ =	strace s7  }
0x9a: {  	s7 =	sld [smem:$0x3FFC];
	_ =	sdelay $0x3  }
0x9b: {  	_ =	strace s7  }
0x9c: {  	s7 =	sld [smem:$0x3FFD];
	_ =	sdelay $0x3  }
0x9d: {  	_ =	strace s7  }
0x9e: {  	_ =	strace $0x8FFFFFFF  }
0x9f: {  	s19 =	sld [smem:$0x3FDB];
	_ =	sdelay $0x1  }
0xa0: {  	s8 =	simm.s32 $_scs_section_size  }
0xa1: {  	s9 =	simm.s32 $_size__tile_overlayer_lowered;
	s10 =	simm.s32 $_tile_overlayer_lowered  }
0xa2: {  	s22 =	simm.s32 $0x1BFF;
	s21 =	sshll.u32 s10, $0x1;
	s7 =	sadd.s32 s8, s19  }
0xa3: {  	s11 =	simm.s32 $0x0;
	s20 =	sshll.u32 s9, $0x1;
	s9 =	sadd.s32 s21, s7  }
0xa4: {  	[timem:s11], [sflag:s22] =	dma.local [hbm:s9], s20  }
0xa5: {  	_ =	swait.ge [sflag:s22], s20  }
0xa6: {  	s8 =	ssub.s32 $0x0, s20;
	[sflag:s22] =	ssyncset.done $0x0  }
0xa7: {  	[sflag:s22] =	ssyncadd.s32 s8;
	_ =	sdelay $0x1  }
0xa8: {  	s23 =	simm.s32 $0x1B8B  }
0xa9: {  	_ =	swait.ge [sflag:s23], $0x1  }
0xaa: {  	[sflag:s23] =	ssyncset.done $0x0  }
0xab: {  	s25 =	simm.s32 $0x1B8E;
	s24 =	sld [smem:$0x3FFE];
	[sflag:s23] =	ssyncadd.s32 $0xFFFFFFFF  }
0xac: {  	s26 =	simm.s32 $execute0_lowered;
	[smem:$0x3FD2] =	sst s25  }
0xad: {  	s9 =	sshll.u32 s26, $0x1;
	_ =	strace $0x80000046;
	[dreg:$0x1] =	wrdreg $0xFFFFFFFF  }
0xae: {  	s28 =	simm.s32 $_size_execute0_lowered;
	s7 =	sadd.s32 s7, s9;
	[dreg:$0x0] =	wrdreg $0x0  }
0xaf: {  	s9 =	sshll.u32 s28, $0x1;
	[dreg:$0x2] =	wrdreg s7  }
0xb0: {  	[dreg:$0x3] =	wrdreg s9  }
0xb1: {  	[dreg:$0x4] =	wrdreg $0xC0  }
0xb2: {  	_ =	task [dreg:s11], $0x5FFFF  }
0xb3: {  	[dreg:$0x1] =	wrdreg $0xFFFFFFFF  }
0xb4: {  	[dreg:$0x0] =	wrdreg $0x60  }
0xb5: {  	[dreg:$0x2] =	wrdreg s15  }
0xb6: {  	[dreg:$0x3] =	wrdreg s24  }
0xb7: {  	[dreg:$0x4] =	wrdreg s4  }
0xb8: {  	[dreg:$0x5] =	wrdreg s18  }
0xb9: {  	[dreg:$0x6] =	wrdreg s16  }
0xba: {  	[dreg:$0x7] =	wrdreg s17  }
0xbb: {  	[dreg:$0x8] =	wrdreg $0x9  }
0xbc: {  	_ =	task.clear_ibuf [dreg:s11], $0x9FFFF;
	_ =	strace $0x90000046  }
0xbd: {  	s29 =	simm.s32 $0x9;
	_ =	strace $0x80000048  }
0xbe: {  	_ =	swait.ge [sflag:s29], $0x1  }
0xbf: {  	[sflag:s29] =	ssyncadd.s32 $0xFFFFFFFF  }
0xc0: {  	_ =	strace $0x90000048  }
0xc1: {  	_ =	sfence  }
0xc2: {  	s30 =	sld [smem:$0x0];
	_ =	sdelay $0x2  }
0xc3: {  	s31 =	sshll.u32 s1, $0xD;
	s1 =	sshrl.u32 s1, $0x2  }
0xc4: {  	s3 =	sand.u32 $0x4000, s31;
	s1 =	sadd.s32 s1, s30  }
0xc5: {  	s0 =	sor.u32 s3, s0;
	s1 =	sshll.u32 s1, $0x11  }
0xc6: {  	s0 =	sor.u32 s1, s0  }
0xc7: {  	s0 =	sadd.s32 $0x8F2B, s0  }
0xc8: {  	[sflag:s0] =	ssyncadd.remote.s32 $0x1  }
0xc9: {  	_ =	sfence.sel $0xFFFF  }
0xca: {  	[dreg:$0x0] =	wrdreg $0xFFFFFFFF;
	(pc) =	sbr.abs _section_cstart, $3  }
0xcb: {  	[dreg:$0x1] =	wrdreg $0xFFFFFFFF  }
0xcc: {  	_ =	task.clear_ibuf [dreg:s11], $0x2FFFF;
	_ =	strace $0x9FFFFFFF  }
0xcd: {  	(tm) =	ssettm $0x7FFFFFFF  }
tec
execute0_lowered:
.L_overlay_start_1:
0x0: {  	(tag) =	ssettag $0x1  }
0x1: {  	s1 =	rddreg [dreg:$0x0]  }
0x2: {  	s0 =	rddreg [dreg:$0x1]  }
0x3: {  	s2 =	rddreg [dreg:$0x2]  }
0x4: {  	s6 =	rddreg [dreg:$0x3]  }
0x5: {  	s5 =	rddreg [dreg:$0x4]  }
0x6: {  	s4 =	rddreg [dreg:$0x5];
	s3 =	simm.s32 $0x0  }
0x7: {  	[smem:$0x7FF] =	sst s3;
	s7 =	sadd.s32 $0x9400, s0  }
0x8: {  	s15 =	sadd.s32 $0x100, s1;
	_ =	strace $0x80000047;
	[dreg:$0x7] =	wrdreg s7  }
0x9: {  	s16 =	sadd.s32 $0x200, s1;
	[dreg:$0x8] =	wrdreg s15  }
0xa: {  	s17 =	sadd.s32 $0x300, s1;
	[dreg:$0x9] =	wrdreg s16  }
0xb: {  	s18 =	sadd.s32 $0x400, s1;
	[dreg:$0xa] =	wrdreg s17  }
0xc: {  	s19 =	sadd.s32 $0x500, s1;
	[dreg:$0xb] =	wrdreg s18  }
0xd: {  	s20 =	sadd.s32 $0x600, s1;
	[dreg:$0xc] =	wrdreg s19  }
0xe: {  	s21 =	sadd.s32 $0x700, s1;
	[dreg:$0xd] =	wrdreg s20  }
0xf: {  	s22 =	sadd.s32 $0x800, s1;
	[dreg:$0xe] =	wrdreg s21  }
0x10: {  	s23 =	sadd.s32 $0x900, s1;
	[dreg:$0xf] =	wrdreg s22  }
0x11: {  	s24 =	sadd.s32 $0xA00, s1;
	[dreg:$0x10] =	wrdreg s23  }
0x12: {  	s25 =	sadd.s32 $0xB00, s1;
	[dreg:$0x11] =	wrdreg s24  }
0x13: {  	s26 =	sadd.s32 $0xC00, s1;
	[dreg:$0x12] =	wrdreg s25  }
0x14: {  	s28 =	sadd.s32 $0xD00, s1;
	[dreg:$0x13] =	wrdreg s26  }
0x15: {  	s9 =	sadd.s32 $0xE00, s1;
	[dreg:$0x14] =	wrdreg s28  }
0x16: {  	s10 =	sadd.s32 $0xF00, s1;
	[dreg:$0x15] =	wrdreg s9  }
0x17: {  	s11 =	sadd.s32 $0x9500, s0;
	[dreg:$0x16] =	wrdreg s10  }
0x18: {  	s13 =	sadd.s32 $0x9600, s0;
	[dreg:$0x17] =	wrdreg s11  }
0x19: {  	s14 =	sadd.s32 $0x9700, s0;
	[dreg:$0x18] =	wrdreg s13  }
0x1a: {  	s2 =	sadd.s32 $0x100, s2;
	[dreg:$0x19] =	wrdreg s14  }
0x1b: {  	s15 =	sadd.s32 $0x9800, s0;
	[smem:$0x7E8] =	sst s2  }
0x1c: {  	s16 =	sadd.s32 $0x9900, s0;
	[dreg:$0x1a] =	wrdreg s15  }
0x1d: {  	s18 =	sadd.s32 $0x9A00, s0;
	[dreg:$0x1b] =	wrdreg s16  }
0x1e: {  	s19 =	sadd.s32 $0x9B00, s0;
	[dreg:$0x1c] =	wrdreg s18  }
0x1f: {  	s21 =	sadd.s32 $0x9C00, s0;
	[dreg:$0x1d] =	wrdreg s19  }
0x20: {  	s22 =	sadd.s32 $0x9D00, s0;
	[dreg:$0x1e] =	wrdreg s21  }
0x21: {  	s24 =	sadd.s32 $0x9E00, s0;
	[dreg:$0x1f] =	wrdreg s22  }
0x22: {  	s25 =	sadd.s32 $0x9F00, s0;
	[smem:$0x7E7] =	sst s24  }
0x23: {  	s12 =	stileid.u32;
	s26 =	sadd.s32 $0xA000, s0;
	[smem:$0x7E9] =	sst s25  }
0x24: {  	s29 =	simm.s32 $0x480;
	s2 =	sadd.s32 $0xA100, s0;
	[smem:$0x7EA] =	sst s26  }
0x25: {  	s8 =	sshll.u32 s12, $0x10;
	s7 =	sadd.s32 $0xA200, s0;
	[smem:$0x7EB] =	sst s2  }
0x26: {  	s8 =	sadd.s32 s8, s0;
	s0 =	sadd.s32 $0xA300, s0;
	[smem:$0x7EC] =	sst s7  }
0x27: {  	s30 =	simm.s32 $0x6C80;
	[smem:$0x7EE] =	sst s0;
	s16 =	simm.s32 $0xC80  }
0x28: {  	s31 =	simm.s32 $0x7480;
	s18 =	simm.s32 $0x1C80;
	[smem:$0x7F2] =	sst s16  }
0x29: {  	s9 =	srdreg.scid;
	s19 =	simm.s32 $0x2480;
	[smem:$0x7F4] =	sst s18  }
0x2a: {  	s17 =	sshll.u32 s12, $0x1;
	s21 =	simm.s32 $0x3480;
	[smem:$0x7F5] =	sst s19  }
0x2b: {  	s9 =	sand.u32 $0x1, s9;
	s22 =	simm.s32 $0x3C80;
	[smem:$0x7F7] =	sst s21  }
0x2c: {  	s24 =	simm.s32 $0x4C80;
	s25 =	simm.s32 $0x5480;
	[smem:$0x7F8] =	sst s22  }
0x2d: {  	s26 =	simm.s32 $0x5C80;
	s0 =	simm.s32 $0x7C80;
	[smem:$0x7FA] =	sst s24  }
0x2e: {  	s7 =	simm.s32 $0x0;
	s10 =	ssub.s32 $0x2, s9;
	[smem:$0x7FB] =	sst s25  }
0x2f: {  	[smem:$0x7FC] =	sst s26;
	s16 =	simm.s32 $0xAC80;
	s18 =	simm.s32 $0xBC80  }
0x30: {  	s19 =	simm.s32 $0xC480;
	s21 =	simm.s32 $0xD480;
	s11 =	sshrl.u32 s10, $0x1  }
0x31: {  	s22 =	simm.s32 $0xDC80;
	s24 =	simm.s32 $0xEC80;
	s10 =	ssub.s32 s10, s11  }
0x32: {  	s11 =	sor.u32 s9, s17;
	s9 =	sshll.u32 s9, $0xF;
	s17 =	simm.s32 $0x1480  }
0x33: {  	s20 =	sshll.u32 s11, $0x3;
	s14 =	smax.u32 s10, $0x1;
	[smem:$0x7F3] =	sst s17  }
0x34: {  	s23 =	sshll.u32 s11, $0x7;
	s6 =	sadd.s32 s6, s20;
	[smem:$0x7EF] =	sst s14  }
0x35: {  	s28 =	sshll.u32 s11, $0xC;
	s5 =	sadd.s32 s5, s23;
	[smem:$0x7E5] =	sst s6  }
0x36: {  	s11 =	sadd.s32 s9, s8;
	s12 =	sadd.s32 s4, s28;
	[smem:$0x7E6] =	sst s5  }
0x37: {  	s25 =	simm.s32 $0xF480;
	s13 =	sadd.s32 $0x309400, s11;
	[smem:$0x7ED] =	sst s12  }
0x38: {  	s26 =	simm.s32 $0xFC80;
	s15 =	sadd.s32 $0x409400, s11;
	[smem:$0x7F0] =	sst s13  }
0x39: {  	s10 =	simm.s32 $0x4;
	s20 =	simm.s32 $0x2C80;
	[smem:$0x7F1] =	sst s15  }
0x3a: {  	s17 =	simm.s32 $0xB480;
	s23 =	simm.s32 $0x4480;
	[smem:$0x7F6] =	sst s20  }
0x3b: {  	s28 =	simm.s32 $0x6480;
	s4 =	simm.s32 $0x8480;
	[smem:$0x7F9] =	sst s23  }
0x3c: {  	v2 =	vlaneseq.u32;
	s14 =	simm.s32 $0x9C80;
	[smem:$0x7FD] =	sst s28;
	s12 =	simm.s32 $0x8C80  }
0x3d: {  	vm0 =	vmmov $0xffff;
	v1 =	vshrl.u32 v2, $0x3;
	s13 =	simm.s32 $0x9480;
	s15 =	simm.s32 $0xA480;
	s20 =	simm.s32 $0xCC80  }
0x3e: {  	v0 =	vand.u32 $0x7, v2;
	v2 =	vor.u32 $0x8, v2;
	v1 =	vmul.u32 $0x8, v1;
	s23 =	simm.s32 $0xE480;
	s5 =	simm.s32 $0x1;
	s6 =	simm.s32 $0x2  }
.LBB2_1:
0x3f: {  	s2 =	sld [smem:$0x7E5];
	_ =	sdelay $0x1  }
0x40: {  	[smem:$0x7E4] =	sst s7  }
0x41: {  	[tilespmem:s3], [sflag:$0x4] =	stream.linear.gather [hbm4b:s2+s3], $0x40, $0x38;
	[tilespmem:$0x18480] =	vst v63  }
0x42: {  	_ =	swait.ge [sflag:s10], $0x40  }
0x43: {  	s11 =	sld [smem:$0x7E6]  }
0x44: {  	[sflag:s10] =	ssyncset.done $0x0  }
0x45: {  	s9 =	simm.s32 $0x80;
	[sflag:s10] =	ssyncadd.s32 $0xFFFFFFC0  }
0x46: {  	[tilespmem:s9], [sflag:$0x4] =	stream.linear.gather [hbm4b:s11+s3], $0x400, $0x38;
	[tilespmem:$0x18480] =	vst v63  }
0x47: {  	_ =	swait.ge [sflag:s10], $0x400  }
0x48: {  	[sflag:s10] =	ssyncset.done $0x0  }
0x49: {  	[sflag:s10] =	ssyncadd.s32 $0xFFFFFC00  }
0x4a: {  	v3 =	vld [tilespmem:$0x0];
	_ =	sdelay $0x4  }
0x4b: {  	v4 =	vshll.u32 v3, $0x2  }
0x4c: {  	v3 =	vand.u32 $0x7, v3;
	v4 =	vand.u32 $0xFFFFFFE0, v4  }
0x4d: {  	v3 =	vor.u32 v3, v4  }
0x4e: {  	v4 =	vperm.xlane v3, v0;
	_ =	sdelay $0x1  }
0x4f: {  	v4 =	vadd.s32 v1, v4;
	_ =	sdelay $0x1  }
0x50: {  	v3 =	vperm.xlane v3, v2  }
0x51: {  	s7 =	sld [smem:$0x7E8]  }
0x52: {  	s8 =	simm.s32 $0x10480;
	s2 =	rddreg [dreg:$0x2];
	v3 =	vadd.s32 v1, v3  }
0x53: {  	[tilespmem:s8], [sflag:$0x3] =	stream.indirect_vreg.gather [hbm4b:s2+s3], $0x80, v4, vm0, $0xb8;
	[tilespmem:$0x18480] =	vst v63  }
0x54: {  	s11 =	simm.s32 $0x10C80  }
0x55: {  	[tilespmem:s11], [sflag:$0x3] =	stream.indirect_vreg.gather [hbm4b:s7+s3], $0x80, v4, vm0, $0xb8;
	[tilespmem:$0x18480] =	vst v63  }
0x56: {  	s28 =	simm.s32 $0x11480  }
0x57: {  	[tilespmem:s28], [sflag:$0x3] =	stream.indirect_vreg.gather [hbm4b:s2+s3], $0x80, v3, vm0, $0xb8;
	[tilespmem:$0x18480] =	vst v63  }
0x58: {  	s28 =	simm.s32 $0x11C80  }
0x59: {  	[tilespmem:s28], [sflag:$0x3] =	stream.indirect_vreg.gather [hbm4b:s7+s3], $0x80, v3, vm0, $0xb8;
	[tilespmem:$0x18480] =	vst v63  }
0x5a: {  	v3 =	vld [tilespmem:$0x10];
	_ =	sdelay $0x4  }
0x5b: {  	v61 =	vshll.u32 v3, $0x2  }
0x5c: {  	v3 =	vand.u32 $0x7, v3;
	v4 =	vand.u32 $0xFFFFFFE0, v61  }
0x5d: {  	v3 =	vor.u32 v3, v4  }
0x5e: {  	v4 =	vperm.xlane v3, v0;
	_ =	sdelay $0x1  }
0x5f: {  	v4 =	vadd.s32 v1, v4;
	_ =	sdelay $0x1  }
0x60: {  	v3 =	vperm.xlane v3, v2;
	_ =	sdelay $0x1  }
0x61: {  	s28 =	simm.s32 $0x12480;
	v3 =	vadd.s32 v1, v3  }
0x62: {  	[tilespmem:s28], [sflag:$0x3] =	stream.indirect_vreg.gather [hbm4b:s2+s3], $0x80, v4, vm0, $0xb8;
	[tilespmem:$0x18480] =	vst v63  }
0x63: {  	s28 =	simm.s32 $0x12C80  }
0x64: {  	[tilespmem:s28], [sflag:$0x3] =	stream.indirect_vreg.gather [hbm4b:s7+s3], $0x80, v4, vm0, $0xb8;
	[tilespmem:$0x18480] =	vst v63  }
0x65: {  	s28 =	simm.s32 $0x13480  }
0x66: {  	[tilespmem:s28], [sflag:$0x3] =	stream.indirect_vreg.gather [hbm4b:s2+s3], $0x80, v3, vm0, $0xb8;
	[tilespmem:$0x18480] =	vst v63  }
0x67: {  	s28 =	simm.s32 $0x13C80  }
0x68: {  	[tilespmem:s28], [sflag:$0x3] =	stream.indirect_vreg.gather [hbm4b:s7+s3], $0x80, v3, vm0, $0xb8;
	[tilespmem:$0x18480] =	vst v63  }
0x69: {  	v3 =	vld [tilespmem:$0x20];
	_ =	sdelay $0x4  }
0x6a: {  	v62 =	vshll.u32 v3, $0x2  }
0x6b: {  	v3 =	vand.u32 $0x7, v3;
	v4 =	vand.u32 $0xFFFFFFE0, v62  }
0x6c: {  	v3 =	vor.u32 v3, v4  }
0x6d: {  	v4 =	vperm.xlane v3, v0;
	_ =	sdelay $0x1  }
0x6e: {  	v4 =	vadd.s32 v1, v4;
	_ =	sdelay $0x1  }
0x6f: {  	v3 =	vperm.xlane v3, v2;
	_ =	sdelay $0x1  }
0x70: {  	s28 =	simm.s32 $0x14480;
	v3 =	vadd.s32 v1, v3  }
0x71: {  	[tilespmem:s28], [sflag:$0x3] =	stream.indirect_vreg.gather [hbm4b:s2+s3], $0x80, v4, vm0, $0xb8;
	[tilespmem:$0x18480] =	vst v63  }
0x72: {  	s28 =	simm.s32 $0x14C80  }
0x73: {  	[tilespmem:s28], [sflag:$0x3] =	stream.indirect_vreg.gather [hbm4b:s7+s3], $0x80, v4, vm0, $0xb8;
	[tilespmem:$0x18480] =	vst v63  }
0x74: {  	s28 =	simm.s32 $0x15480  }
0x75: {  	[tilespmem:s28], [sflag:$0x3] =	stream.indirect_vreg.gather [hbm4b:s2+s3], $0x80, v3, vm0, $0xb8;
	[tilespmem:$0x18480] =	vst v63  }
0x76: {  	s28 =	simm.s32 $0x15C80  }
0x77: {  	[tilespmem:s28], [sflag:$0x3] =	stream.indirect_vreg.gather [hbm4b:s7+s3], $0x80, v3, vm0, $0xb8;
	[tilespmem:$0x18480] =	vst v63  }
0x78: {  	v3 =	vld [tilespmem:$0x30];
	_ =	sdelay $0x4  }
0x79: {  	v63 =	vshll.u32 v3, $0x2  }
0x7a: {  	v3 =	vand.u32 $0x7, v3;
	v4 =	vand.u32 $0xFFFFFFE0, v63  }
0x7b: {  	v3 =	vor.u32 v3, v4  }
0x7c: {  	v4 =	vperm.xlane v3, v0;
	_ =	sdelay $0x1  }
0x7d: {  	v4 =	vadd.s32 v1, v4;
	_ =	sdelay $0x1  }
0x7e: {  	v3 =	vperm.xlane v3, v2;
	_ =	sdelay $0x1  }
0x7f: {  	s28 =	simm.s32 $0x16480;
	v3 =	vadd.s32 v1, v3  }
0x80: {  	[tilespmem:s28], [sflag:$0x3] =	stream.indirect_vreg.gather [hbm4b:s2+s3], $0x80, v4, vm0, $0xb8;
	[tilespmem:$0x18480] =	vst v63  }
0x81: {  	s28 =	simm.s32 $0x16C80  }
0x82: {  	[tilespmem:s28], [sflag:$0x3] =	stream.indirect_vreg.gather [hbm4b:s7+s3], $0x80, v4, vm0, $0xb8;
	[tilespmem:$0x18480] =	vst v63  }
0x83: {  	s28 =	simm.s32 $0x17480  }
0x84: {  	[tilespmem:s28], [sflag:$0x3] =	stream.indirect_vreg.gather [hbm4b:s2+s3], $0x80, v3, vm0, $0xb8;
	[tilespmem:$0x18480] =	vst v63  }
0x85: {  	s11 =	simm.s32 $0x3;
	s28 =	simm.s32 $0x17C80  }
0x86: {  	[tilespmem:s28], [sflag:$0x3] =	stream.indirect_vreg.gather [hbm4b:s7+s3], $0x80, v3, vm0, $0xb8;
	[tilespmem:$0x18480] =	vst v63  }
0x87: {  	_ =	swait.ge [sflag:s11], $0x8000  }
0x88: {  	s28 =	sld [smem:$0x7ED]  }
0x89: {  	[sflag:s11] =	ssyncset.done $0x0  }
0x8a: {  	[sflag:s11] =	ssyncadd.s32 $0xFFFF8000  }
0x8b: {  	[hbm4b:s28+s3] =	stream.linear.scatter [tilespmem:s8], [sflag:$0x4], $0x8000, $0x38;
	[tilespmem:$0x18480] =	vst v63  }
0x8c: {  	_ =	swait.ge [sflag:s10], $0x8000  }
0x8d: {  	[sflag:s10] =	ssyncset.done $0x0  }
0x8e: {  	s11 =	simm.s32 $0x0;
	[sflag:s10] =	ssyncadd.s32 $0xFFFF8000  }
.LBB2_2:
0x8f: {  	v3 =	vld.msk [tilespmem:s9+$0x0], $0xff;
	_ =	sdelay $0x4  }
0x90: {  	v4 =	vshll.u32 v3, $0x5  }
0x91: {  	v3 =	vand.u32 $0x7, v3;
	v4 =	vand.u32 $0xFFFFFF00, v4  }
0x92: {  	v3 =	vor.u32 v3, v4  }
0x93: {  	v3 =	vperm.xlane v3, v0;
	_ =	sdelay $0x1  }
0x94: {  	v3 =	vadd.s32 v1, v3;
	_ =	sdelay $0x1  }
0x95: {  	s28 =	rddreg [dreg:$0x8]  }
0x96: {  	s2 =	sld [smem:$0x7F2]  }
0x97: {  	s7 =	rddreg [dreg:$0x9]  }
0x98: {  	[tilespmem:s29], [sflag:$0x1] =	stream.indirect_vreg.gather [hbm4b:s1+s3], $0x80, v3, vm0, $0xb8;
	[tilespmem:$0x18480] =	vst v63  }
0x99: {  	s8 =	sld [smem:$0x7F3]  }
0x9a: {  	[tilespmem:s2], [sflag:$0x1] =	stream.indirect_vreg.gather [hbm4b:s28+s3], $0x80, v3, vm0, $0xb8;
	[tilespmem:$0x18480] =	vst v63  }
0x9b: {  	s2 =	rddreg [dreg:$0xa]  }
0x9c: {  	[tilespmem:s8], [sflag:$0x1] =	stream.indirect_vreg.gather [hbm4b:s7+s3], $0x80, v3, vm0, $0xb8;
	[tilespmem:$0x18480] =	vst v63  }
0x9d: {  	s7 =	sld [smem:$0x7F4]  }
0x9e: {  	s28 =	sld [smem:$0x7F5]  }
0x9f: {  	s8 =	rddreg [dreg:$0xb]  }
0xa0: {  	[tilespmem:s7], [sflag:$0x1] =	stream.indirect_vreg.gather [hbm4b:s2+s3], $0x80, v3, vm0, $0xb8;
	[tilespmem:$0x18480] =	vst v63  }
0xa1: {  	s2 =	rddreg [dreg:$0xc]  }
0xa2: {  	s7 =	sld [smem:$0x7F6]  }
0xa3: {  	[tilespmem:s28], [sflag:$0x1] =	stream.indirect_vreg.gather [hbm4b:s8+s3], $0x80, v3, vm0, $0xb8;
	[tilespmem:$0x18480] =	vst v63  }
0xa4: {  	s8 =	rddreg [dreg:$0xd]  }
0xa5: {  	s28 =	sld [smem:$0x7F7]  }
0xa6: {  	[tilespmem:s7], [sflag:$0x1] =	stream.indirect_vreg.gather [hbm4b:s2+s3], $0x80, v3, vm0, $0xb8;
	[tilespmem:$0x18480] =	vst v63  }
0xa7: {  	s2 =	rddreg [dreg:$0xe]  }
0xa8: {  	s7 =	sld [smem:$0x7F8]  }
0xa9: {  	[tilespmem:s28], [sflag:$0x1] =	stream.indirect_vreg.gather [hbm4b:s8+s3], $0x80, v3, vm0, $0xb8;
	[tilespmem:$0x18480] =	vst v63  }
0xaa: {  	s8 =	rddreg [dreg:$0xf]  }
0xab: {  	s28 =	sld [smem:$0x7F9]  }
0xac: {  	[tilespmem:s7], [sflag:$0x1] =	stream.indirect_vreg.gather [hbm4b:s2+s3], $0x80, v3, vm0, $0xb8;
	[tilespmem:$0x18480] =	vst v63  }
0xad: {  	s2 =	rddreg [dreg:$0x10]  }
0xae: {  	s7 =	sld [smem:$0x7FA]  }
0xaf: {  	[tilespmem:s28], [sflag:$0x1] =	stream.indirect_vreg.gather [hbm4b:s8+s3], $0x80, v3, vm0, $0xb8;
	[tilespmem:$0x18480] =	vst v63  }
0xb0: {  	s8 =	rddreg [dreg:$0x11]  }
0xb1: {  	s28 =	sld [smem:$0x7FB]  }
0xb2: {  	[tilespmem:s7], [sflag:$0x1] =	stream.indirect_vreg.gather [hbm4b:s2+s3], $0x80, v3, vm0, $0xb8;
	[tilespmem:$0x18480] =	vst v63  }
0xb3: {  	s2 =	rddreg [dreg:$0x12]  }
0xb4: {  	s7 =	sld [smem:$0x7FC]  }
0xb5: {  	[tilespmem:s28], [sflag:$0x1] =	stream.indirect_vreg.gather [hbm4b:s8+s3], $0x80, v3, vm0, $0xb8;
	[tilespmem:$0x18480] =	vst v63  }
0xb6: {  	s28 =	sld [smem:$0x7FD]  }
0xb7: {  	[tilespmem:s7], [sflag:$0x1] =	stream.indirect_vreg.gather [hbm4b:s2+s3], $0x80, v3, vm0, $0xb8;
	[tilespmem:$0x18480] =	vst v63  }
0xb8: {  	s8 =	rddreg [dreg:$0x13]  }
0xb9: {  	[tilespmem:s28], [sflag:$0x1] =	stream.indirect_vreg.gather [hbm4b:s8+s3], $0x80, v3, vm0, $0xb8;
	[tilespmem:$0x18480] =	vst v63  }
0xba: {  	s7 =	rddreg [dreg:$0x14]  }
0xbb: {  	[tilespmem:s30], [sflag:$0x1] =	stream.indirect_vreg.gather [hbm4b:s7+s3], $0x80, v3, vm0, $0xb8;
	[tilespmem:$0x18480] =	vst v63  }
0xbc: {  	s8 =	rddreg [dreg:$0x15]  }
0xbd: {  	[tilespmem:s31], [sflag:$0x1] =	stream.indirect_vreg.gather [hbm4b:s8+s3], $0x80, v3, vm0, $0xb8;
	[tilespmem:$0x18480] =	vst v63  }
0xbe: {  	s28 =	rddreg [dreg:$0x16]  }
0xbf: {  	[tilespmem:s0], [sflag:$0x1] =	stream.indirect_vreg.gather [hbm4b:s28+s3], $0x80, v3, vm0, $0xb8;
	[tilespmem:$0x18480] =	vst v63  }
0xc0: {  	v3 =	vld.msk [tilespmem:s9+$0x0], $0xff;
	_ =	sdelay $0x4  }
0xc1: {  	v63 =	vshll.u32 v3, $0x5  }
0xc2: {  	v3 =	vand.u32 $0x7, v3;
	v4 =	vand.u32 $0xFFFFFF00, v63  }
0xc3: {  	v3 =	vor.u32 v3, v4  }
0xc4: {  	v3 =	vperm.xlane v3, v0;
	_ =	sdelay $0x1  }
0xc5: {  	v3 =	vadd.s32 v1, v3;
	_ =	sdelay $0x2  }
0xc6: {  	s8 =	rddreg [dreg:$0x7]  }
0xc7: {  	s28 =	rddreg [dreg:$0x17]  }
0xc8: {  	[tilespmem:s4], [sflag:$0x2] =	stream.indirect_vreg.gather [hbm4b:s8+s3], $0x80, v3, vm0, $0xb8;
	[tilespmem:$0x18480] =	vst v63  }
0xc9: {  	s8 =	rddreg [dreg:$0x18]  }
0xca: {  	[tilespmem:s12], [sflag:$0x2] =	stream.indirect_vreg.gather [hbm4b:s28+s3], $0x80, v3, vm0, $0xb8;
	[tilespmem:$0x18480] =	vst v63  }
0xcb: {  	s28 =	rddreg [dreg:$0x19]  }
0xcc: {  	[tilespmem:s13], [sflag:$0x2] =	stream.indirect_vreg.gather [hbm4b:s8+s3], $0x80, v3, vm0, $0xb8;
	[tilespmem:$0x18480] =	vst v63  }
0xcd: {  	s8 =	rddreg [dreg:$0x1a]  }
0xce: {  	[tilespmem:s14], [sflag:$0x2] =	stream.indirect_vreg.gather [hbm4b:s28+s3], $0x80, v3, vm0, $0xb8;
	[tilespmem:$0x18480] =	vst v63  }
0xcf: {  	s28 =	rddreg [dreg:$0x1b]  }
0xd0: {  	[tilespmem:s15], [sflag:$0x2] =	stream.indirect_vreg.gather [hbm4b:s8+s3], $0x80, v3, vm0, $0xb8;
	[tilespmem:$0x18480] =	vst v63  }
0xd1: {  	s8 =	rddreg [dreg:$0x1c]  }
0xd2: {  	[tilespmem:s16], [sflag:$0x2] =	stream.indirect_vreg.gather [hbm4b:s28+s3], $0x80, v3, vm0, $0xb8;
	[tilespmem:$0x18480] =	vst v63  }
0xd3: {  	s28 =	rddreg [dreg:$0x1d]  }
0xd4: {  	[tilespmem:s17], [sflag:$0x2] =	stream.indirect_vreg.gather [hbm4b:s8+s3], $0x80, v3, vm0, $0xb8;
	[tilespmem:$0x18480] =	vst v63  }
0xd5: {  	s8 =	rddreg [dreg:$0x1e]  }
0xd6: {  	[tilespmem:s18], [sflag:$0x2] =	stream.indirect_vreg.gather [hbm4b:s28+s3], $0x80, v3, vm0, $0xb8;
	[tilespmem:$0x18480] =	vst v63  }
0xd7: {  	s28 =	rddreg [dreg:$0x1f]  }
0xd8: {  	[tilespmem:s19], [sflag:$0x2] =	stream.indirect_vreg.gather [hbm4b:s8+s3], $0x80, v3, vm0, $0xb8;
	[tilespmem:$0x18480] =	vst v63  }
0xd9: {  	s8 =	sld [smem:$0x7E7]  }
0xda: {  	[tilespmem:s20], [sflag:$0x2] =	stream.indirect_vreg.gather [hbm4b:s28+s3], $0x80, v3, vm0, $0xb8;
	[tilespmem:$0x18480] =	vst v63  }
0xdb: {  	s28 =	sld [smem:$0x7E9]  }
0xdc: {  	[tilespmem:s21], [sflag:$0x2] =	stream.indirect_vreg.gather [hbm4b:s8+s3], $0x80, v3, vm0, $0xb8;
	[tilespmem:$0x18480] =	vst v63  }
0xdd: {  	s8 =	sld [smem:$0x7EA]  }
0xde: {  	[tilespmem:s22], [sflag:$0x2] =	stream.indirect_vreg.gather [hbm4b:s28+s3], $0x80, v3, vm0, $0xb8;
	[tilespmem:$0x18480] =	vst v63  }
0xdf: {  	s28 =	sld [smem:$0x7EB]  }
0xe0: {  	[tilespmem:s23], [sflag:$0x2] =	stream.indirect_vreg.gather [hbm4b:s8+s3], $0x80, v3, vm0, $0xb8;
	[tilespmem:$0x18480] =	vst v63  }
0xe1: {  	s8 =	sld [smem:$0x7EC]  }
0xe2: {  	[tilespmem:s24], [sflag:$0x2] =	stream.indirect_vreg.gather [hbm4b:s28+s3], $0x80, v3, vm0, $0xb8;
	[tilespmem:$0x18480] =	vst v63  }
0xe3: {  	s28 =	sld [smem:$0x7EE]  }
0xe4: {  	[tilespmem:s25], [sflag:$0x2] =	stream.indirect_vreg.gather [hbm4b:s8+s3], $0x80, v3, vm0, $0xb8;
	[tilespmem:$0x18480] =	vst v63  }
0xe5: {  	_ = 	snop  }
0xe6: {  	[tilespmem:s26], [sflag:$0x2] =	stream.indirect_vreg.gather [hbm4b:s28+s3], $0x80, v3, vm0, $0xb8;
	[tilespmem:$0x18480] =	vst v63  }
0xe7: {  	_ =	swait.ge [sflag:s5], $0x8000  }
0xe8: {  	s8 =	sld [smem:$0x7F0];
	_ =	sdelay $0x1  }
0xe9: {  	[sflag:s5] =	ssyncset.done $0x0  }
0xea: {  	[sflag:s5] =	ssyncadd.s32 $0xFFFF8000;
	s2 =	sadd.s32 s11, s8  }
0xeb: {  	[hbm4b:s2+s3] =	stream.linear.scatter [tilespmem:s29], [sflag:$0x4], $0x8000, $0x38;
	[tilespmem:$0x18480] =	vst v63  }
0xec: {  	_ =	swait.ge [sflag:s10], $0x8000  }
0xed: {  	[sflag:s10] =	ssyncset.done $0x0  }
0xee: {  	[sflag:s10] =	ssyncadd.s32 $0xFFFF8000  }
0xef: {  	_ =	swait.ge [sflag:s6], $0x8000  }
0xf0: {  	s28 =	sld [smem:$0x7F1];
	_ =	sdelay $0x1  }
0xf1: {  	p0 =	sne.s32 s11, $0x7000;
	[sflag:s6] =	ssyncset.done $0x0  }
.Ltmp0:
0xf2: {  	[sflag:s6] =	ssyncadd.s32 $0xFFFF8000;
	s2 =	sadd.s32 s11, s28;
	(pc) =	sbr.rel @p0 .LBB2_2-.Ltmp0, $4  }
0xf3: {  	[hbm4b:s2+s3] =	stream.linear.scatter [tilespmem:s4], [sflag:$0x4], $0x8000, $0x38;
	[tilespmem:$0x18480] =	vst v63  }
0xf4: {  	_ =	swait.ge [sflag:s10], $0x8000  }
0xf5: {  	[sflag:s10] =	ssyncset.done $0x0  }
0xf6: {  	s9 =	sadd.s32 $0x80, s9;
	s11 =	sadd.s32 $0x1000, s11;
	[sflag:s10] =	ssyncadd.s32 $0xFFFF8000  }
0xf7: {  	s7 =	sld [smem:$0x7E4]  }
0xf8: {  	s2 =	sld [smem:$0x7EF];
	_ =	sdelay $0x1  }
0xf9: {  	s7 =	sadd.s32 $0x1, s7  }
0xfa: {  	p0 =	sne.s32 s7, s2  }
.Ltmp1:
0xfb: {  	_ = 	snop;
	(pc) =	sbr.rel @p0 .LBB2_1-.Ltmp1, $1  }
0xfc: {  	_ =	sdelay $0x3  }
0xfd: {  	_ =	sfence.sel $0x180000  }
0xfe: {  	[bflag:$0x0] =	sbarrier.arrive $0xFFFF  }
0xff: {  	_ =	strace $0x90000047  }
0x100: {  	s0 =	stileid.u32;
	[bflag:$0x2] =	sbarrier.arrive $0xFFFF  }
0x101: {  	p0 =	sne.s32 s0, $0x0;
	s0 =	rddreg [dreg:$0x6]  }
0x102: {  	s0 =	sadd.s32 @!p0 $0x100000, s0  }
0x103: {  	[sflag:s0] =	ssyncadd.tile.s32 @!p0 $0x1;
	_ =	shalt  }
.Lfunc_end2:
_tile_overlayer_lowered:
.L_overlay_start_2:
0x104: {  	(tag) =	ssettag $0x2  }
0x105: {  	s0 =	rddreg [dreg:$0x0];
	s2 =	stileid.u32  }
0x106: {  	s1 =	rddreg [dreg:$0x1];
	p0 =	sne.s32 s2, $0x0  }
0x107: {  	s3 =	rddreg [dreg:$0x2];
	[bflag:$0x3] =	sbarrier.arrive $0xFFFF;
	s2 =	simm.s32 @!p0 $0x1C04  }
0x108: {  	[timem:s3], [sflag:s2] =	dma.local @!p0 [hbm:s0], s1  }
0x109: {  	s0 =	simm.s32 @!p0 $0x4  }
0x10a: {  	_ =	swait.ge @!p0 [sflag:s0], s1  }
0x10b: {  	s1 =	ssub.s32 @!p0 $0x0, s1;
	[sflag:s0] =	ssyncset.done @!p0 $0x0  }
0x10c: {  	[sflag:s0] =	ssyncadd.s32 @!p0 s1  }
0x10d: {  	[bflag:$0x3] =	sbarrier.arrive $0xFFFF  }
0x10e: {  	_ =	shalt  }

</sc_bundles>
